<compile_context>
chip_gen: v7x
topology: tpu7x:2x2x1
jax: 0.10.2.dev20260603
libtpu: 0.0.44.dev20260713+nightly
codegen_flags: <defaults>
</compile_context>

<pallas_src>
import functools

import numpy as np
import jax
import jax.numpy as jnp
from jax import lax
from jax.experimental import pallas as pl
from jax.experimental.pallas import tpu as pltpu
from jax.experimental.pallas import tpu_sc as plsc

jax.config.update("jax_enable_x64", True)

_POINT_PAIRS = 10000
_SIGMA = 0.03
_ALPHA = 1.0
_MASK_VALUE = -1e-08
_N_IMG = 4
_HW = 512 * 512
_TOT_PAIRS = _N_IMG * _POINT_PAIRS

_NC, _NS, _LANES = 1, 16, 16
_NW = _NC * _NS
_PT_VALID = _TOT_PAIRS // _NW
_CHUNKS = (_PT_VALID + _LANES - 1) // _LANES
_B_OFF = _CHUNKS * _LANES
_PT_PAD = -(-(_B_OFF + _LANES) // (1024 // _NW)) * (1024 // _NW)
_IDX_PAD = -(-2 * _B_OFF // 8) * 8
_NGCH = 1
_GCH = _IDX_PAD

_idx_cache = [None]

_ROT_A = (13, 15, 26, 6)
_ROT_B = (17, 29, 16, 24)


def _rotl32(x, d):
    return ((x << np.uint32(d)) | (x >> np.uint32(32 - d))).astype(np.uint32)


def _threefry2x32_np(k1, k2, x0, x1):
    ks0 = np.uint32(k1)
    ks1 = np.uint32(k2)
    ks2 = np.uint32(ks0 ^ ks1 ^ np.uint32(0x1BD11BDA))
    x0 = np.asarray(x0, np.uint32).copy()
    x1 = np.asarray(x1, np.uint32).copy()
    x0 = (x0 + ks0).astype(np.uint32)
    x1 = (x1 + ks1).astype(np.uint32)

    def rounds(x0, x1, rots):
        for r in rots:
            x0 = (x0 + x1).astype(np.uint32)
            x1 = _rotl32(x1, r)
            x1 = (x1 ^ x0).astype(np.uint32)
        return x0, x1

    for i, (rots, kA, kB) in enumerate(
            ((_ROT_A, ks1, ks2), (_ROT_B, ks2, ks0), (_ROT_A, ks0, ks1),
             (_ROT_B, ks1, ks2), (_ROT_A, ks2, ks0))):
        x0, x1 = rounds(x0, x1, rots)
        x0 = (x0 + kA).astype(np.uint32)
        x1 = (x1 + kB + np.uint32(i + 1)).astype(np.uint32)
    return x0, x1


def _np_fold_in(key, data):
    o0, o1 = _threefry2x32_np(key[0], key[1],
                              np.array([data >> 32], np.uint32),
                              np.array([data & 0xFFFFFFFF], np.uint32))
    return np.array([o0[0], o1[0]], np.uint32)


def _np_permutation(key, n):
    num_rounds = int(np.ceil(3 * np.log(max(1, n)) / np.log(0xFFFFFFFF)))
    x = np.arange(n, dtype=np.int64)
    for _ in range(num_rounds):
        b1, b2 = _threefry2x32_np(key[0], key[1],
                                  np.zeros(2, np.uint32),
                                  np.arange(2, dtype=np.uint32))
        key = np.array([b1[0], b2[0]], np.uint32)
        subkey = np.array([b1[1], b2[1]], np.uint32)
        s1, s2 = _threefry2x32_np(subkey[0], subkey[1],
                                  np.zeros(n, np.uint32),
                                  np.arange(n, dtype=np.uint32))
        x = x[np.argsort((s1 ^ s2).astype(np.uint32), kind="stable")]
    return x


def _pair_index_table():
    if _idx_cache[0] is None:
        a_parts, b_parts = [], []
        base_key = np.array([0, 42], np.uint32)
        for i in range(_N_IMG):
            perm = _np_permutation(_np_fold_in(base_key, i), _HW)
            sel = perm[: 2 * _POINT_PAIRS]
            a_parts.append(sel[0::2] + i * _HW)
            b_parts.append(sel[1::2] + i * _HW)
        idx_a = np.concatenate(a_parts)
        idx_b = np.concatenate(b_parts)
        tab = np.zeros((_NW, _IDX_PAD), np.int32)
        for t in range(_NW):
            lo, hi = t * _PT_VALID, (t + 1) * _PT_VALID
            tab[t, 0:_PT_VALID] = idx_a[lo:hi]
            tab[t, _B_OFF:_B_OFF + _PT_VALID] = idx_b[lo:hi]
        _idx_cache[0] = tab
    return _idx_cache[0]


def _ln_poly_coeffs():
    m = np.linspace(1.0, 2.0, 20001)
    return np.polyfit(m - 1.5, np.log(m), 9).astype(np.float32)


_LN_COEFFS = _ln_poly_coeffs()
_LN2 = float(np.log(2.0))


_S1_CHUNKS = (_PT_VALID // _LANES // 2 // 2) * 2
_S1 = _S1_CHUNKS * _LANES


def _sc_body(inp_hbm, tgt_hbm, idx_hbm, out_hbm,
             idx_v, vin, vtg, stage, red, shared, sem, sem2):
    wid = lax.axis_index("s") * _NC + lax.axis_index("c")
    pltpu.sync_copy(idx_hbm.at[wid], idx_v)

    def fire(lo_e, n_e, s):
        sl = pl.ds(lo_e, n_e)
        return [pltpu.async_copy(inp_hbm.at[idx_v.at[sl]], vin.at[sl], s),
                pltpu.async_copy(tgt_hbm.at[idx_v.at[sl]], vtg.at[sl], s)]

    g1 = fire(0, _S1, sem) + fire(_B_OFF, _S1, sem)
    g2 = (fire(_S1, _B_OFF - _S1, sem2)
          + fire(_B_OFF + _S1, _IDX_PAD - _B_OFF - _S1, sem2))
    for d in g1:
        d.wait()

    lane = lax.iota(jnp.int32, _LANES)
    hi = jnp.float32(1.0 + _SIGMA)
    lo = jnp.float32(1.0 / (1.0 + _SIGMA))
    one = jnp.float32(1.0)
    zero = jnp.float32(0.0)
    mant = jnp.int32(0x007FFFFF)
    expo1 = jnp.int32(0x3F800000)

    def pair_v(off, boff, tailmask):
        i_a = vin[pl.ds(off, _LANES)]
        i_b = vin[pl.ds(boff, _LANES)]
        t_a = vtg[pl.ds(off, _LANES)]
        t_b = vtg[pl.ds(boff, _LANES)]
        d = i_a - i_b
        base = t_b + jnp.float32(1e-8)
        in_hi = jnp.where(t_a < hi * base, one, zero)
        in_lo = jnp.where(t_a > lo * base, one, zero)
        m_eq = in_hi * in_lo
        lab = in_lo - in_hi
        un = (one - m_eq) if tailmask is None else (one - m_eq) * tailmask
        eq = d * d * m_eq if tailmask is None else d * d * m_eq * tailmask
        v = one + un * jnp.exp(-d * lab)
        return eq, v

    def renorm(kacc, macc):
        mbits = plsc.bitcast(macc, jnp.int32)
        kacc = kacc + (lax.shift_right_logical(mbits, jnp.int32(23))
                       - jnp.int32(127))
        macc = plsc.bitcast((mbits & mant) | expo1, jnp.float32)
        return kacc, macc

    _FULL = _PT_VALID // _LANES
    _HALF = _FULL // 2

    def chunk2(c, carry):
        eqacc, kacc, macc = carry
        cl = c * jnp.int32(2 * _LANES)
        off = pl.multiple_of(cl, _LANES)
        boff = pl.multiple_of(jnp.int32(_B_OFF) + cl, _LANES)
        eq0, v0 = pair_v(off, boff, None)
        eq1, v1 = pair_v(off + jnp.int32(_LANES), boff + jnp.int32(_LANES),
                         None)
        eqacc = eqacc + (eq0 + eq1)
        macc = macc * v0 * v1
        kacc, macc = renorm(kacc, macc)
        return eqacc, kacc, macc

    carry = lax.fori_loop(
        jnp.int32(0), jnp.int32(_S1_CHUNKS // 2), chunk2,
        (jnp.zeros((_LANES,), jnp.float32),
         jnp.zeros((_LANES,), jnp.int32),
         jnp.ones((_LANES,), jnp.float32)))
    for d in g2:
        d.wait()
    eqacc, kacc, macc = lax.fori_loop(
        jnp.int32(_S1_CHUNKS // 2), jnp.int32(_HALF), chunk2, carry)

    for ci in range(2 * _HALF, _CHUNKS):
        tmask = None
        if ci * _LANES + _LANES > _PT_VALID:
            tmask = jnp.where(
                jnp.int32(ci * _LANES) + lane < jnp.int32(_PT_VALID),
                one, zero)
        eqt, vt = pair_v(ci * _LANES, _B_OFF + ci * _LANES, tmask)
        eqacc = eqacc + eqt
        macc = macc * vt
        kacc, macc = renorm(kacc, macc)

    u = macc - jnp.float32(1.5)
    lnm = jnp.full((_LANES,), jnp.float32(_LN_COEFFS[0]))
    for coef in _LN_COEFFS[1:]:
        lnm = lnm * u + jnp.float32(coef)
    acc = (jnp.float32(_ALPHA) * eqacc
           + kacc.astype(jnp.float32) * jnp.float32(_LN2) + lnm)

    stage[...] = acc
    pltpu.sync_copy(stage, shared.at[pl.ds(pl.multiple_of(wid * _LANES, 8),
                                           _LANES)])
    plsc.subcore_barrier()

    @pl.when(wid == jnp.int32(0))
    def _():
        pltpu.sync_copy(shared, red)
        tot = jnp.zeros((_LANES,), jnp.float32)
        for t in range(_NW):
            tot = tot + red[pl.ds(t * _LANES, _LANES)]
        s = jnp.sum(tot) * jnp.float32(1.0 / _TOT_PAIRS)
        stage[...] = jnp.zeros((_LANES,), jnp.float32) + s
        pltpu.sync_copy(stage, out_hbm)


_sc_kernel_cache = [None]


def _sc_kernel():
    if _sc_kernel_cache[0] is None:
        _sc_kernel_cache[0] = functools.partial(
            pl.kernel,
            out_type=jax.ShapeDtypeStruct((_LANES,), jnp.float32),
            mesh=plsc.VectorSubcoreMesh(core_axis_name="c", subcore_axis_name="s",
                                        num_cores=_NC),
            compiler_params=pltpu.CompilerParams(needs_layout_passes=False,
                                                 skip_device_barrier=True),
            scratch_types=[pltpu.VMEM((_IDX_PAD,), jnp.int32),
                           pltpu.VMEM((_IDX_PAD,), jnp.float32),
                           pltpu.VMEM((_IDX_PAD,), jnp.float32),
                           pltpu.VMEM((_LANES,), jnp.float32),
                           pltpu.VMEM((_NW * _LANES,), jnp.float32),
                           pltpu.VMEM_SHARED((_NW * _LANES,), jnp.float32),
                           pltpu.SemaphoreType.DMA,
                           pltpu.SemaphoreType.DMA],
        )(_sc_body)
    return _sc_kernel_cache[0]


def kernel(inputs, targets):
    inp_flat = inputs.reshape(-1).astype(jnp.float32)
    tgt_flat = targets.reshape(-1).astype(jnp.float32)
    idx = jnp.asarray(_pair_index_table())
    out = _sc_kernel()(inp_flat, tgt_flat, idx)
    return out[0]

# --- scband reference (transcript-rebuilt; emitter-appended) ---
"""Pipeline reference for scband-ranking-loss-xian-7335804141931 (READ-ONLY COPY).

The authoritative reference and input builder live on the scoring server;
editing this copy changes nothing except your own understanding.
"""

import jax, jax.numpy as jnp
import numpy as np
jax.config.update("jax_enable_x64", True)

POINT_PAIRS = 10000
SIGMA = 0.03
ALPHA = 1.0
MASK_VALUE = -1e-08


def setup_inputs(seed: int = 0) -> dict:
    key = jax.random.key(seed)
    k1, k2 = jax.random.split(key)
    inputs = jax.random.normal(k1, (4, 1, 512, 512), dtype=jnp.float32)
    targets = jax.random.uniform(k2, (4, 1, 512, 512), dtype=jnp.float32)
    return {"inputs": inputs, "targets": targets}


def reference(inputs, targets):
    n = targets.shape[0]
    inp = inputs.reshape(n, -1).astype(jnp.float64)
    tgt = targets.reshape(n, -1).astype(jnp.float64)
    msk = (targets > MASK_VALUE).reshape(n, -1).astype(jnp.float64)
    loss = jnp.asarray(0.0, dtype=jnp.float64)
    for i in range(n):
        mask_i = tgt[i] > MASK_VALUE
        num_effect = mask_i.shape[0]
        idx = jnp.nonzero(mask_i, size=num_effect)[0]
        perm = jax.random.permutation(jax.random.fold_in(jax.random.key(42), i), num_effect)
        selA = idx[perm[0:POINT_PAIRS * 2:2]]
        selB = idx[perm[1:POINT_PAIRS * 2:2]]
        if selA.shape[0] > selB.shape[0]:
            selA = selA[:-1]
        inputs_A = inp[i][selA]
        inputs_B = inp[i][selB]
        targets_A = tgt[i][selA]
        targets_B = tgt[i][selB]
        cmA = msk[i][selA]
        cmB = msk[i][selB]
        target_ratio = targets_A / (targets_B + 1e-08)
        mask_eq = (target_ratio < 1.0 + SIGMA) & (target_ratio > 1.0 / (1.0 + SIGMA))
        labels = jnp.zeros_like(target_ratio)
        labels = jnp.where(target_ratio >= 1.0 + SIGMA, 1.0, labels)
        labels = jnp.where(target_ratio <= 1.0 / (1.0 + SIGMA), -1.0, labels)
        consistency_mask = cmA * cmB
        equal_loss = (inputs_A - inputs_B) ** 2 * mask_eq.astype(jnp.float64) * consistency_mask
        unequal_loss = jnp.log(1.0 + jnp.exp((-inputs_A + inputs_B) * labels)) * (~mask_eq).astype(jnp.float64) * consistency_mask
        loss = loss + ALPHA * equal_loss.mean() + unequal_loss.mean()
    return (loss / n).astype(jnp.float32)

if __name__ == "__main__":
    import jax
    _d = setup_inputs()
    print(jax.jit(kernel)(*tuple(_d.values())))

</pallas_src>

<mosaic_0001>
#map = affine_map<(d0, d1) -> (0)>
#map1 = affine_map<(d0, d1) -> (0, 0)>
module attributes {stable_mosaic.version = 14 : i64} {
  func.func @_sc_body(%arg0: i32, %arg1: i32, %arg2: memref<1048576xf32, #tpu.memory_space<hbm>>, %arg3: memref<1048576xf32, #tpu.memory_space<hbm>>, %arg4: memref<16x5024xi32, #tpu.memory_space<hbm>>, %arg5: memref<16xf32, #tpu.memory_space<hbm>>, %arg6: memref<5024xi32, #tpu.memory_space<vmem>>, %arg7: memref<5024xf32, #tpu.memory_space<vmem>>, %arg8: memref<5024xf32, #tpu.memory_space<vmem>>, %arg9: memref<16xf32, #tpu.memory_space<vmem>>, %arg10: memref<256xf32, #tpu.memory_space<vmem>>, %arg11: memref<256xf32, #tpu.memory_space<vmem_shared>>, %arg12: memref<!tpu.dma_semaphore, #tpu.memory_space<semaphore_mem>>, %arg13: memref<!tpu.dma_semaphore, #tpu.memory_space<semaphore_mem>>) attributes {dimension_semantics = [#tpu.dimension_semantics<core_parallel>, #tpu.dimension_semantics<subcore_parallel>], iteration_bounds = array<i64: 1, 16>, scalar_prefetch = 0 : i64, scratch_operands = 8 : i64, tpu.core_type = #tpu.core_type<sc_vector_subcore>, window_params = [{transform_indices = #map}, {transform_indices = #map}, {transform_indices = #map1}, {transform_indices = #map}]} {
    %mul3A = arith.constant 1 : i32
    %mul3A_0 = arith.muli %arg1, %mul3A : i32
    %add3A = arith.addi %mul3A_0, %arg0 : i32
    "tpu.region"() ({
      %run_scoped3A = tpu.sem_alloc : memref<!tpu.dma_semaphore, #tpu.memory_space<semaphore_mem>>
      %dma_start3A_254 = arith.constant 0 : i32
      %dma_start3A_255 = tpu.memref_slice %arg4[%add3A, %dma_start3A_254] : memref<16x5024xi32, #tpu.memory_space<hbm>> -> memref<1x5024xi32, #tpu.memory_space<hbm>>
      %dma_start3A_256 = tpu.memref_squeeze %dma_start3A_255 : memref<1x5024xi32, #tpu.memory_space<hbm>> -> memref<5024xi32, #tpu.memory_space<hbm>>
      %dma_start3A_257 = arith.constant 0 : i32
      %dma_start3A_258 = tpu.memref_slice %arg4[%add3A, %dma_start3A_257] : memref<16x5024xi32, #tpu.memory_space<hbm>> -> memref<1x5024xi32, #tpu.memory_space<hbm>>
      %dma_start3A_259 = tpu.memref_squeeze %dma_start3A_258 : memref<1x5024xi32, #tpu.memory_space<hbm>> -> memref<5024xi32, #tpu.memory_space<hbm>>
      tpu.enqueue_dma source(%dma_start3A_259 : memref<5024xi32, #tpu.memory_space<hbm>>) target(%arg6 : memref<5024xi32, #tpu.memory_space<vmem>>) target_semaphore(%run_scoped3A : memref<!tpu.dma_semaphore, #tpu.memory_space<semaphore_mem>>)
      %dma_wait3A_260 = arith.constant 0 : i32
      %dma_wait3A_261 = tpu.memref_slice %arg4[%add3A, %dma_wait3A_260] : memref<16x5024xi32, #tpu.memory_space<hbm>> -> memref<1x5024xi32, #tpu.memory_space<hbm>>
      %dma_wait3A_262 = tpu.memref_squeeze %dma_wait3A_261 : memref<1x5024xi32, #tpu.memory_space<hbm>> -> memref<5024xi32, #tpu.memory_space<hbm>>
      %dma_wait3A_263 = arith.constant 0 : i32
      %dma_wait3A_264 = tpu.memref_slice %arg4[%add3A, %dma_wait3A_263] : memref<16x5024xi32, #tpu.memory_space<hbm>> -> memref<1x5024xi32, #tpu.memory_space<hbm>>
      %dma_wait3A_265 = tpu.memref_squeeze %dma_wait3A_264 : memref<1x5024xi32, #tpu.memory_space<hbm>> -> memref<5024xi32, #tpu.memory_space<hbm>>
      tpu.wait_dma2 semaphore(%run_scoped3A : memref<!tpu.dma_semaphore, #tpu.memory_space<semaphore_mem>>) src(%dma_wait3A_265 : memref<5024xi32, #tpu.memory_space<hbm>>) dst(%arg6 : memref<5024xi32, #tpu.memory_space<vmem>>)
      tpu.yield
    }) : () -> ()
    %dma_start3A = arith.constant 0 : i32
    %dma_start3A_1 = tpu.memref_slice %arg7[%dma_start3A] : memref<5024xf32, #tpu.memory_space<vmem>> -> memref<1248xf32, #tpu.memory_space<vmem>>
    %dma_start3A_2 = arith.constant 0 : i32
    %dma_start3A_3 = tpu.memref_slice %arg6[%dma_start3A_2] : memref<5024xi32, #tpu.memory_space<vmem>> -> memref<1248xi32, #tpu.memory_space<vmem>>
    %dma_start3A_4 = arith.constant 0 : i32
    %dma_start3A_5 = tpu.memref_slice %arg2[%dma_start3A_4] : memref<1048576xf32, #tpu.memory_space<hbm>> -> memref<1048576xf32, #tpu.memory_space<hbm>>
    tpu.enqueue_indirect_dma source(%dma_start3A_5 : memref<1048576xf32, #tpu.memory_space<hbm>>) target(%dma_start3A_1 : memref<1248xf32, #tpu.memory_space<vmem>>) offsets(%dma_start3A_3 : memref<1248xi32, #tpu.memory_space<vmem>>) semaphore(%arg12 : memref<!tpu.dma_semaphore, #tpu.memory_space<semaphore_mem>>)
    %dma_start3A_6 = arith.constant 0 : i32
    %dma_start3A_7 = tpu.memref_slice %arg8[%dma_start3A_6] : memref<5024xf32, #tpu.memory_space<vmem>> -> memref<1248xf32, #tpu.memory_space<vmem>>
    %dma_start3A_8 = arith.constant 0 : i32
    %dma_start3A_9 = tpu.memref_slice %arg6[%dma_start3A_8] : memref<5024xi32, #tpu.memory_space<vmem>> -> memref<1248xi32, #tpu.memory_space<vmem>>
    %dma_start3A_10 = arith.constant 0 : i32
    %dma_start3A_11 = tpu.memref_slice %arg3[%dma_start3A_10] : memref<1048576xf32, #tpu.memory_space<hbm>> -> memref<1048576xf32, #tpu.memory_space<hbm>>
    tpu.enqueue_indirect_dma source(%dma_start3A_11 : memref<1048576xf32, #tpu.memory_space<hbm>>) target(%dma_start3A_7 : memref<1248xf32, #tpu.memory_space<vmem>>) offsets(%dma_start3A_9 : memref<1248xi32, #tpu.memory_space<vmem>>) semaphore(%arg12 : memref<!tpu.dma_semaphore, #tpu.memory_space<semaphore_mem>>)
    %dma_start3A_12 = arith.constant 2512 : i32
    %dma_start3A_13 = tpu.memref_slice %arg7[%dma_start3A_12] : memref<5024xf32, #tpu.memory_space<vmem>> -> memref<1248xf32, #tpu.memory_space<vmem>>
    %dma_start3A_14 = arith.constant 2512 : i32
    %dma_start3A_15 = tpu.memref_slice %arg6[%dma_start3A_14] : memref<5024xi32, #tpu.memory_space<vmem>> -> memref<1248xi32, #tpu.memory_space<vmem>>
    %dma_start3A_16 = arith.constant 0 : i32
    %dma_start3A_17 = tpu.memref_slice %arg2[%dma_start3A_16] : memref<1048576xf32, #tpu.memory_space<hbm>> -> memref<1048576xf32, #tpu.memory_space<hbm>>
    tpu.enqueue_indirect_dma source(%dma_start3A_17 : memref<1048576xf32, #tpu.memory_space<hbm>>) target(%dma_start3A_13 : memref<1248xf32, #tpu.memory_space<vmem>>) offsets(%dma_start3A_15 : memref<1248xi32, #tpu.memory_space<vmem>>) semaphore(%arg12 : memref<!tpu.dma_semaphore, #tpu.memory_space<semaphore_mem>>)
    %dma_start3A_18 = arith.constant 2512 : i32
    %dma_start3A_19 = tpu.memref_slice %arg8[%dma_start3A_18] : memref<5024xf32, #tpu.memory_space<vmem>> -> memref<1248xf32, #tpu.memory_space<vmem>>
    %dma_start3A_20 = arith.constant 2512 : i32
    %dma_start3A_21 = tpu.memref_slice %arg6[%dma_start3A_20] : memref<5024xi32, #tpu.memory_space<vmem>> -> memref<1248xi32, #tpu.memory_space<vmem>>
    %dma_start3A_22 = arith.constant 0 : i32
    %dma_start3A_23 = tpu.memref_slice %arg3[%dma_start3A_22] : memref<1048576xf32, #tpu.memory_space<hbm>> -> memref<1048576xf32, #tpu.memory_space<hbm>>
    tpu.enqueue_indirect_dma source(%dma_start3A_23 : memref<1048576xf32, #tpu.memory_space<hbm>>) target(%dma_start3A_19 : memref<1248xf32, #tpu.memory_space<vmem>>) offsets(%dma_start3A_21 : memref<1248xi32, #tpu.memory_space<vmem>>) semaphore(%arg12 : memref<!tpu.dma_semaphore, #tpu.memory_space<semaphore_mem>>)
    %dma_start3A_24 = arith.constant 1248 : i32
    %dma_start3A_25 = tpu.memref_slice %arg7[%dma_start3A_24] : memref<5024xf32, #tpu.memory_space<vmem>> -> memref<1264xf32, #tpu.memory_space<vmem>>
    %dma_start3A_26 = arith.constant 1248 : i32
    %dma_start3A_27 = tpu.memref_slice %arg6[%dma_start3A_26] : memref<5024xi32, #tpu.memory_space<vmem>> -> memref<1264xi32, #tpu.memory_space<vmem>>
    %dma_start3A_28 = arith.constant 0 : i32
    %dma_start3A_29 = tpu.memref_slice %arg2[%dma_start3A_28] : memref<1048576xf32, #tpu.memory_space<hbm>> -> memref<1048576xf32, #tpu.memory_space<hbm>>
    tpu.enqueue_indirect_dma source(%dma_start3A_29 : memref<1048576xf32, #tpu.memory_space<hbm>>) target(%dma_start3A_25 : memref<1264xf32, #tpu.memory_space<vmem>>) offsets(%dma_start3A_27 : memref<1264xi32, #tpu.memory_space<vmem>>) semaphore(%arg13 : memref<!tpu.dma_semaphore, #tpu.memory_space<semaphore_mem>>)
    %dma_start3A_30 = arith.constant 1248 : i32
    %dma_start3A_31 = tpu.memref_slice %arg8[%dma_start3A_30] : memref<5024xf32, #tpu.memory_space<vmem>> -> memref<1264xf32, #tpu.memory_space<vmem>>
    %dma_start3A_32 = arith.constant 1248 : i32
    %dma_start3A_33 = tpu.memref_slice %arg6[%dma_start3A_32] : memref<5024xi32, #tpu.memory_space<vmem>> -> memref<1264xi32, #tpu.memory_space<vmem>>
    %dma_start3A_34 = arith.constant 0 : i32
    %dma_start3A_35 = tpu.memref_slice %arg3[%dma_start3A_34] : memref<1048576xf32, #tpu.memory_space<hbm>> -> memref<1048576xf32, #tpu.memory_space<hbm>>
    tpu.enqueue_indirect_dma source(%dma_start3A_35 : memref<1048576xf32, #tpu.memory_space<hbm>>) target(%dma_start3A_31 : memref<1264xf32, #tpu.memory_space<vmem>>) offsets(%dma_start3A_33 : memref<1264xi32, #tpu.memory_space<vmem>>) semaphore(%arg13 : memref<!tpu.dma_semaphore, #tpu.memory_space<semaphore_mem>>)
    %dma_start3A_36 = arith.constant 3760 : i32
    %dma_start3A_37 = tpu.memref_slice %arg7[%dma_start3A_36] : memref<5024xf32, #tpu.memory_space<vmem>> -> memref<1264xf32, #tpu.memory_space<vmem>>
    %dma_start3A_38 = arith.constant 3760 : i32
    %dma_start3A_39 = tpu.memref_slice %arg6[%dma_start3A_38] : memref<5024xi32, #tpu.memory_space<vmem>> -> memref<1264xi32, #tpu.memory_space<vmem>>
    %dma_start3A_40 = arith.constant 0 : i32
    %dma_start3A_41 = tpu.memref_slice %arg2[%dma_start3A_40] : memref<1048576xf32, #tpu.memory_space<hbm>> -> memref<1048576xf32, #tpu.memory_space<hbm>>
    tpu.enqueue_indirect_dma source(%dma_start3A_41 : memref<1048576xf32, #tpu.memory_space<hbm>>) target(%dma_start3A_37 : memref<1264xf32, #tpu.memory_space<vmem>>) offsets(%dma_start3A_39 : memref<1264xi32, #tpu.memory_space<vmem>>) semaphore(%arg13 : memref<!tpu.dma_semaphore, #tpu.memory_space<semaphore_mem>>)
    %dma_start3A_42 = arith.constant 3760 : i32
    %dma_start3A_43 = tpu.memref_slice %arg8[%dma_start3A_42] : memref<5024xf32, #tpu.memory_space<vmem>> -> memref<1264xf32, #tpu.memory_space<vmem>>
    %dma_start3A_44 = arith.constant 3760 : i32
    %dma_start3A_45 = tpu.memref_slice %arg6[%dma_start3A_44] : memref<5024xi32, #tpu.memory_space<vmem>> -> memref<1264xi32, #tpu.memory_space<vmem>>
    %dma_start3A_46 = arith.constant 0 : i32
    %dma_start3A_47 = tpu.memref_slice %arg3[%dma_start3A_46] : memref<1048576xf32, #tpu.memory_space<hbm>> -> memref<1048576xf32, #tpu.memory_space<hbm>>
    tpu.enqueue_indirect_dma source(%dma_start3A_47 : memref<1048576xf32, #tpu.memory_space<hbm>>) target(%dma_start3A_43 : memref<1264xf32, #tpu.memory_space<vmem>>) offsets(%dma_start3A_45 : memref<1264xi32, #tpu.memory_space<vmem>>) semaphore(%arg13 : memref<!tpu.dma_semaphore, #tpu.memory_space<semaphore_mem>>)
    %dma_wait3A = arith.constant 0 : i32
    %dma_wait3A_48 = tpu.memref_slice %arg7[%dma_wait3A] : memref<5024xf32, #tpu.memory_space<vmem>> -> memref<1248xf32, #tpu.memory_space<vmem>>
    %dma_wait3A_49 = arith.constant 0 : i32
    %dma_wait3A_50 = tpu.memref_slice %arg6[%dma_wait3A_49] : memref<5024xi32, #tpu.memory_space<vmem>> -> memref<1248xi32, #tpu.memory_space<vmem>>
    %dma_wait3A_51 = arith.constant 0 : i32
    %dma_wait3A_52 = tpu.memref_slice %arg2[%dma_wait3A_51] : memref<1048576xf32, #tpu.memory_space<hbm>> -> memref<1048576xf32, #tpu.memory_space<hbm>>
    tpu.wait_indirect_dma semaphore(%arg12 : memref<!tpu.dma_semaphore, #tpu.memory_space<semaphore_mem>>) src(%dma_wait3A_52 : memref<1048576xf32, #tpu.memory_space<hbm>>) dst(%dma_wait3A_48 : memref<1248xf32, #tpu.memory_space<vmem>>)
    %dma_wait3A_53 = arith.constant 0 : i32
    %dma_wait3A_54 = tpu.memref_slice %arg8[%dma_wait3A_53] : memref<5024xf32, #tpu.memory_space<vmem>> -> memref<1248xf32, #tpu.memory_space<vmem>>
    %dma_wait3A_55 = arith.constant 0 : i32
    %dma_wait3A_56 = tpu.memref_slice %arg6[%dma_wait3A_55] : memref<5024xi32, #tpu.memory_space<vmem>> -> memref<1248xi32, #tpu.memory_space<vmem>>
    %dma_wait3A_57 = arith.constant 0 : i32
    %dma_wait3A_58 = tpu.memref_slice %arg3[%dma_wait3A_57] : memref<1048576xf32, #tpu.memory_space<hbm>> -> memref<1048576xf32, #tpu.memory_space<hbm>>
    tpu.wait_indirect_dma semaphore(%arg12 : memref<!tpu.dma_semaphore, #tpu.memory_space<semaphore_mem>>) src(%dma_wait3A_58 : memref<1048576xf32, #tpu.memory_space<hbm>>) dst(%dma_wait3A_54 : memref<1248xf32, #tpu.memory_space<vmem>>)
    %dma_wait3A_59 = arith.constant 2512 : i32
    %dma_wait3A_60 = tpu.memref_slice %arg7[%dma_wait3A_59] : memref<5024xf32, #tpu.memory_space<vmem>> -> memref<1248xf32, #tpu.memory_space<vmem>>
    %dma_wait3A_61 = arith.constant 2512 : i32
    %dma_wait3A_62 = tpu.memref_slice %arg6[%dma_wait3A_61] : memref<5024xi32, #tpu.memory_space<vmem>> -> memref<1248xi32, #tpu.memory_space<vmem>>
    %dma_wait3A_63 = arith.constant 0 : i32
    %dma_wait3A_64 = tpu.memref_slice %arg2[%dma_wait3A_63] : memref<1048576xf32, #tpu.memory_space<hbm>> -> memref<1048576xf32, #tpu.memory_space<hbm>>
    tpu.wait_indirect_dma semaphore(%arg12 : memref<!tpu.dma_semaphore, #tpu.memory_space<semaphore_mem>>) src(%dma_wait3A_64 : memref<1048576xf32, #tpu.memory_space<hbm>>) dst(%dma_wait3A_60 : memref<1248xf32, #tpu.memory_space<vmem>>)
    %dma_wait3A_65 = arith.constant 2512 : i32
    %dma_wait3A_66 = tpu.memref_slice %arg8[%dma_wait3A_65] : memref<5024xf32, #tpu.memory_space<vmem>> -> memref<1248xf32, #tpu.memory_space<vmem>>
    %dma_wait3A_67 = arith.constant 2512 : i32
    %dma_wait3A_68 = tpu.memref_slice %arg6[%dma_wait3A_67] : memref<5024xi32, #tpu.memory_space<vmem>> -> memref<1248xi32, #tpu.memory_space<vmem>>
    %dma_wait3A_69 = arith.constant 0 : i32
    %dma_wait3A_70 = tpu.memref_slice %arg3[%dma_wait3A_69] : memref<1048576xf32, #tpu.memory_space<hbm>> -> memref<1048576xf32, #tpu.memory_space<hbm>>
    tpu.wait_indirect_dma semaphore(%arg12 : memref<!tpu.dma_semaphore, #tpu.memory_space<semaphore_mem>>) src(%dma_wait3A_70 : memref<1048576xf32, #tpu.memory_space<hbm>>) dst(%dma_wait3A_66 : memref<1248xf32, #tpu.memory_space<vmem>>)
    %iota3A = tpu.iota {dimensions = array<i32: 0>} : vector<16xi32>
    %broadcast_in_dim3A = arith.constant 0.000000e+00 : f32
    %broadcast_in_dim3A_71 = vector.broadcast %broadcast_in_dim3A : f32 to vector<16xf32>
    %broadcast_in_dim3A_72 = arith.constant 0 : i32
    %broadcast_in_dim3A_73 = vector.broadcast %broadcast_in_dim3A_72 : i32 to vector<16xi32>
    %broadcast_in_dim3A_74 = arith.constant 1.000000e+00 : f32
    %broadcast_in_dim3A_75 = vector.broadcast %broadcast_in_dim3A_74 : f32 to vector<16xf32>
    %while3A = arith.constant 1.030000e+00 : f32
    %while3A_76 = arith.constant 1.000000e+00 : f32
    %while3A_77 = arith.constant 0.000000e+00 : f32
    %while3A_78 = arith.constant 0.970873773 : f32
    %while3A_79 = arith.constant 8388607 : i32
    %while3A_80 = arith.constant 1065353216 : i32
    %while3A_81 = arith.constant 0 : i32
    %while3A_82 = arith.constant 39 : i32
    %while3A_83 = arith.subi %while3A_82, %while3A_81 : i32
    %while3A_84 = arith.addi %while3A_81, %while3A_83 : i32
    %while3A_85 = arith.constant 1 : i32
    %while3A_86 = arith.divsi %while3A_83, %while3A_85 : i32
    %while3A_87 = arith.muli %while3A_86, %while3A_85 : i32
    %while3A_88 = arith.addi %while3A_81, %while3A_87 : i32
    %while3A_89 = arith.constant 1 : i32
    %while3A_90:3 = scf.for %while3A_254 = %while3A_81 to %while3A_88 step %while3A_89 iter_args(%while3A_255 = %broadcast_in_dim3A_71, %while3A_256 = %broadcast_in_dim3A_73, %while3A_257 = %broadcast_in_dim3A_75) -> (vector<16xf32>, vector<16xi32>, vector<16xf32>)  : i32 {
      %mul3A_258 = arith.constant 32 : i32
      %mul3A_259 = arith.muli %while3A_254, %mul3A_258 : i32
      %multiple_of3A_260 = tpu.assume_multiple %mul3A_259, 16 : i32
      %add3A_261 = arith.constant 2512 : i32
      %add3A_262 = arith.addi %add3A_261, %mul3A_259 : i32
      %multiple_of3A_263 = tpu.assume_multiple %add3A_262, 16 : i32
      %get3A_264 = arith.index_cast %multiple_of3A_260 : i32 to index
      %get3A_265 = tpu.vector_load %arg7[%get3A_264] {strides = array<i32>} : memref<5024xf32, #tpu.memory_space<vmem>>, vector<16xf32>,
      %get3A_266 = arith.index_cast %multiple_of3A_263 : i32 to index
      %get3A_267 = tpu.vector_load %arg7[%get3A_266] {strides = array<i32>} : memref<5024xf32, #tpu.memory_space<vmem>>, vector<16xf32>,
      %get3A_268 = arith.index_cast %multiple_of3A_260 : i32 to index
      %get3A_269 = tpu.vector_load %arg8[%get3A_268] {strides = array<i32>} : memref<5024xf32, #tpu.memory_space<vmem>>, vector<16xf32>,
      %get3A_270 = arith.index_cast %multiple_of3A_263 : i32 to index
      %get3A_271 = tpu.vector_load %arg8[%get3A_270] {strides = array<i32>} : memref<5024xf32, #tpu.memory_space<vmem>>, vector<16xf32>,
      %sub3A_272 = arith.subf %get3A_265, %get3A_267 : vector<16xf32>
      %add3A_273 = arith.constant 9.99999993E-9 : f32
      %add3A_274 = vector.broadcast %add3A_273 : f32 to vector<16xf32>
      %add3A_275 = arith.addf %get3A_271, %add3A_274 : vector<16xf32>
      %mul3A_276 = vector.broadcast %while3A : f32 to vector<16xf32>
      %mul3A_277 = arith.mulf %mul3A_276, %add3A_275 : vector<16xf32>
      %lt3A_278 = arith.cmpf olt, %get3A_269, %mul3A_277 : vector<16xf32>
      %broadcast_in_dim3A_279 = vector.broadcast %while3A_76 : f32 to vector<16xf32>
      %broadcast_in_dim3A_280 = vector.broadcast %while3A_77 : f32 to vector<16xf32>
      %select_n3A_281 = arith.select %lt3A_278, %broadcast_in_dim3A_279, %broadcast_in_dim3A_280 : vector<16xi1>, vector<16xf32>
      %mul3A_282 = vector.broadcast %while3A_78 : f32 to vector<16xf32>
      %mul3A_283 = arith.mulf %mul3A_282, %add3A_275 : vector<16xf32>
      %gt3A_284 = arith.cmpf ogt, %get3A_269, %mul3A_283 : vector<16xf32>
      %broadcast_in_dim3A_285 = vector.broadcast %while3A_76 : f32 to vector<16xf32>
      %broadcast_in_dim3A_286 = vector.broadcast %while3A_77 : f32 to vector<16xf32>
      %select_n3A_287 = arith.select %gt3A_284, %broadcast_in_dim3A_285, %broadcast_in_dim3A_286 : vector<16xi1>, vector<16xf32>
      %mul3A_288 = arith.mulf %select_n3A_281, %select_n3A_287 : vector<16xf32>
      %sub3A_289 = arith.subf %select_n3A_287, %select_n3A_281 : vector<16xf32>
      %sub3A_290 = vector.broadcast %while3A_76 : f32 to vector<16xf32>
      %sub3A_291 = arith.subf %sub3A_290, %mul3A_288 : vector<16xf32>
      %mul3A_292 = arith.mulf %sub3A_272, %sub3A_272 : vector<16xf32>
      %mul3A_293 = arith.mulf %mul3A_292, %mul3A_288 : vector<16xf32>
      %neg3A_294 = arith.constant 0.000000e+00 : f32
      %neg3A_295 = vector.broadcast %neg3A_294 : f32 to vector<16xf32>
      %neg3A_296 = arith.subf %neg3A_295, %sub3A_272 : vector<16xf32>
      %mul3A_297 = arith.mulf %neg3A_296, %sub3A_289 : vector<16xf32>
      %exp3A_298 = math.exp %mul3A_297 : vector<16xf32>
      %mul3A_299 = arith.mulf %sub3A_291, %exp3A_298 : vector<16xf32>
      %add3A_300 = vector.broadcast %while3A_76 : f32 to vector<16xf32>
      %add3A_301 = arith.addf %add3A_300, %mul3A_299 : vector<16xf32>
      %add3A_302 = arith.constant 16 : i32
      %add3A_303 = arith.addi %multiple_of3A_260, %add3A_302 : i32
      %add3A_304 = arith.constant 16 : i32
      %add3A_305 = arith.addi %multiple_of3A_263, %add3A_304 : i32
      %get3A_306 = arith.index_cast %add3A_303 : i32 to index
      %get3A_307 = tpu.vector_load %arg7[%get3A_306] {strides = array<i32>} : memref<5024xf32, #tpu.memory_space<vmem>>, vector<16xf32>,
      %get3A_308 = arith.index_cast %add3A_305 : i32 to index
      %get3A_309 = tpu.vector_load %arg7[%get3A_308] {strides = array<i32>} : memref<5024xf32, #tpu.memory_space<vmem>>, vector<16xf32>,
      %get3A_310 = arith.index_cast %add3A_303 : i32 to index
      %get3A_311 = tpu.vector_load %arg8[%get3A_310] {strides = array<i32>} : memref<5024xf32, #tpu.memory_space<vmem>>, vector<16xf32>,
      %get3A_312 = arith.index_cast %add3A_305 : i32 to index
      %get3A_313 = tpu.vector_load %arg8[%get3A_312] {strides = array<i32>} : memref<5024xf32, #tpu.memory_space<vmem>>, vector<16xf32>,
      %sub3A_314 = arith.subf %get3A_307, %get3A_309 : vector<16xf32>
      %add3A_315 = arith.constant 9.99999993E-9 : f32
      %add3A_316 = vector.broadcast %add3A_315 : f32 to vector<16xf32>
      %add3A_317 = arith.addf %get3A_313, %add3A_316 : vector<16xf32>
      %mul3A_318 = vector.broadcast %while3A : f32 to vector<16xf32>
      %mul3A_319 = arith.mulf %mul3A_318, %add3A_317 : vector<16xf32>
      %lt3A_320 = arith.cmpf olt, %get3A_311, %mul3A_319 : vector<16xf32>
      %broadcast_in_dim3A_321 = vector.broadcast %while3A_76 : f32 to vector<16xf32>
      %broadcast_in_dim3A_322 = vector.broadcast %while3A_77 : f32 to vector<16xf32>
      %select_n3A_323 = arith.select %lt3A_320, %broadcast_in_dim3A_321, %broadcast_in_dim3A_322 : vector<16xi1>, vector<16xf32>
      %mul3A_324 = vector.broadcast %while3A_78 : f32 to vector<16xf32>
      %mul3A_325 = arith.mulf %mul3A_324, %add3A_317 : vector<16xf32>
      %gt3A_326 = arith.cmpf ogt, %get3A_311, %mul3A_325 : vector<16xf32>
      %broadcast_in_dim3A_327 = vector.broadcast %while3A_76 : f32 to vector<16xf32>
      %broadcast_in_dim3A_328 = vector.broadcast %while3A_77 : f32 to vector<16xf32>
      %select_n3A_329 = arith.select %gt3A_326, %broadcast_in_dim3A_327, %broadcast_in_dim3A_328 : vector<16xi1>, vector<16xf32>
      %mul3A_330 = arith.mulf %select_n3A_323, %select_n3A_329 : vector<16xf32>
      %sub3A_331 = arith.subf %select_n3A_329, %select_n3A_323 : vector<16xf32>
      %sub3A_332 = vector.broadcast %while3A_76 : f32 to vector<16xf32>
      %sub3A_333 = arith.subf %sub3A_332, %mul3A_330 : vector<16xf32>
      %mul3A_334 = arith.mulf %sub3A_314, %sub3A_314 : vector<16xf32>
      %mul3A_335 = arith.mulf %mul3A_334, %mul3A_330 : vector<16xf32>
      %neg3A_336 = arith.constant 0.000000e+00 : f32
      %neg3A_337 = vector.broadcast %neg3A_336 : f32 to vector<16xf32>
      %neg3A_338 = arith.subf %neg3A_337, %sub3A_314 : vector<16xf32>
      %mul3A_339 = arith.mulf %neg3A_338, %sub3A_331 : vector<16xf32>
      %exp3A_340 = math.exp %mul3A_339 : vector<16xf32>
      %mul3A_341 = arith.mulf %sub3A_333, %exp3A_340 : vector<16xf32>
      %add3A_342 = vector.broadcast %while3A_76 : f32 to vector<16xf32>
      %add3A_343 = arith.addf %add3A_342, %mul3A_341 : vector<16xf32>
      %add3A_344 = arith.addf %mul3A_293, %mul3A_335 : vector<16xf32>
      %add3A_345 = arith.addf %while3A_255, %add3A_344 : vector<16xf32>
      %mul3A_346 = arith.mulf %while3A_257, %add3A_301 : vector<16xf32>
      %mul3A_347 = arith.mulf %mul3A_346, %add3A_343 : vector<16xf32>
      %bitcast3A_348 = vector.bitcast %mul3A_347 : vector<16xf32> to vector<16xi32>
      %shift_right_logical3A_349 = arith.constant 23 : i32
      %shift_right_logical3A_350 = vector.broadcast %shift_right_logical3A_349 : i32 to vector<16xi32>
      %shift_right_logical3A_351 = arith.shrui %bitcast3A_348, %shift_right_logical3A_350 : vector<16xi32>
      %sub3A_352 = arith.constant 127 : i32
      %sub3A_353 = vector.broadcast %sub3A_352 : i32 to vector<16xi32>
      %sub3A_354 = arith.subi %shift_right_logical3A_351, %sub3A_353 : vector<16xi32>
      %add3A_355 = arith.addi %while3A_256, %sub3A_354 : vector<16xi32>
      %and3A_356 = vector.broadcast %while3A_79 : i32 to vector<16xi32>
      %and3A_357 = arith.andi %bitcast3A_348, %and3A_356 : vector<16xi32>
      %or3A_358 = vector.broadcast %while3A_80 : i32 to vector<16xi32>
      %or3A_359 = arith.ori %and3A_357, %or3A_358 : vector<16xi32>
      %bitcast3A_360 = vector.bitcast %or3A_359 : vector<16xi32> to vector<16xf32>
      scf.yield %add3A_345, %add3A_355, %bitcast3A_360 : vector<16xf32>, vector<16xi32>, vector<16xf32>
    }
    %while3A_91 = arith.constant 1 : i32
    %while3A_92:3 = scf.for %while3A_254 = %while3A_88 to %while3A_84 step %while3A_91 iter_args(%while3A_255 = %while3A_90#0, %while3A_256 = %while3A_90#1, %while3A_257 = %while3A_90#2) -> (vector<16xf32>, vector<16xi32>, vector<16xf32>)  : i32 {
      %mul3A_258 = arith.constant 32 : i32
      %mul3A_259 = arith.muli %while3A_254, %mul3A_258 : i32
      %multiple_of3A_260 = tpu.assume_multiple %mul3A_259, 16 : i32
      %add3A_261 = arith.constant 2512 : i32
      %add3A_262 = arith.addi %add3A_261, %mul3A_259 : i32
      %multiple_of3A_263 = tpu.assume_multiple %add3A_262, 16 : i32
      %get3A_264 = arith.index_cast %multiple_of3A_260 : i32 to index
      %get3A_265 = tpu.vector_load %arg7[%get3A_264] {strides = array<i32>} : memref<5024xf32, #tpu.memory_space<vmem>>, vector<16xf32>,
      %get3A_266 = arith.index_cast %multiple_of3A_263 : i32 to index
      %get3A_267 = tpu.vector_load %arg7[%get3A_266] {strides = array<i32>} : memref<5024xf32, #tpu.memory_space<vmem>>, vector<16xf32>,
      %get3A_268 = arith.index_cast %multiple_of3A_260 : i32 to index
      %get3A_269 = tpu.vector_load %arg8[%get3A_268] {strides = array<i32>} : memref<5024xf32, #tpu.memory_space<vmem>>, vector<16xf32>,
      %get3A_270 = arith.index_cast %multiple_of3A_263 : i32 to index
      %get3A_271 = tpu.vector_load %arg8[%get3A_270] {strides = array<i32>} : memref<5024xf32, #tpu.memory_space<vmem>>, vector<16xf32>,
      %sub3A_272 = arith.subf %get3A_265, %get3A_267 : vector<16xf32>
      %add3A_273 = arith.constant 9.99999993E-9 : f32
      %add3A_274 = vector.broadcast %add3A_273 : f32 to vector<16xf32>
      %add3A_275 = arith.addf %get3A_271, %add3A_274 : vector<16xf32>
      %mul3A_276 = vector.broadcast %while3A : f32 to vector<16xf32>
      %mul3A_277 = arith.mulf %mul3A_276, %add3A_275 : vector<16xf32>
      %lt3A_278 = arith.cmpf olt, %get3A_269, %mul3A_277 : vector<16xf32>
      %broadcast_in_dim3A_279 = vector.broadcast %while3A_76 : f32 to vector<16xf32>
      %broadcast_in_dim3A_280 = vector.broadcast %while3A_77 : f32 to vector<16xf32>
      %select_n3A_281 = arith.select %lt3A_278, %broadcast_in_dim3A_279, %broadcast_in_dim3A_280 : vector<16xi1>, vector<16xf32>
      %mul3A_282 = vector.broadcast %while3A_78 : f32 to vector<16xf32>
      %mul3A_283 = arith.mulf %mul3A_282, %add3A_275 : vector<16xf32>
      %gt3A_284 = arith.cmpf ogt, %get3A_269, %mul3A_283 : vector<16xf32>
      %broadcast_in_dim3A_285 = vector.broadcast %while3A_76 : f32 to vector<16xf32>
      %broadcast_in_dim3A_286 = vector.broadcast %while3A_77 : f32 to vector<16xf32>
      %select_n3A_287 = arith.select %gt3A_284, %broadcast_in_dim3A_285, %broadcast_in_dim3A_286 : vector<16xi1>, vector<16xf32>
      %mul3A_288 = arith.mulf %select_n3A_281, %select_n3A_287 : vector<16xf32>
      %sub3A_289 = arith.subf %select_n3A_287, %select_n3A_281 : vector<16xf32>
      %sub3A_290 = vector.broadcast %while3A_76 : f32 to vector<16xf32>
      %sub3A_291 = arith.subf %sub3A_290, %mul3A_288 : vector<16xf32>
      %mul3A_292 = arith.mulf %sub3A_272, %sub3A_272 : vector<16xf32>
      %mul3A_293 = arith.mulf %mul3A_292, %mul3A_288 : vector<16xf32>
      %neg3A_294 = arith.constant 0.000000e+00 : f32
      %neg3A_295 = vector.broadcast %neg3A_294 : f32 to vector<16xf32>
      %neg3A_296 = arith.subf %neg3A_295, %sub3A_272 : vector<16xf32>
      %mul3A_297 = arith.mulf %neg3A_296, %sub3A_289 : vector<16xf32>
      %exp3A_298 = math.exp %mul3A_297 : vector<16xf32>
      %mul3A_299 = arith.mulf %sub3A_291, %exp3A_298 : vector<16xf32>
      %add3A_300 = vector.broadcast %while3A_76 : f32 to vector<16xf32>
      %add3A_301 = arith.addf %add3A_300, %mul3A_299 : vector<16xf32>
      %add3A_302 = arith.constant 16 : i32
      %add3A_303 = arith.addi %multiple_of3A_260, %add3A_302 : i32
      %add3A_304 = arith.constant 16 : i32
      %add3A_305 = arith.addi %multiple_of3A_263, %add3A_304 : i32
      %get3A_306 = arith.index_cast %add3A_303 : i32 to index
      %get3A_307 = tpu.vector_load %arg7[%get3A_306] {strides = array<i32>} : memref<5024xf32, #tpu.memory_space<vmem>>, vector<16xf32>,
      %get3A_308 = arith.index_cast %add3A_305 : i32 to index
      %get3A_309 = tpu.vector_load %arg7[%get3A_308] {strides = array<i32>} : memref<5024xf32, #tpu.memory_space<vmem>>, vector<16xf32>,
      %get3A_310 = arith.index_cast %add3A_303 : i32 to index
      %get3A_311 = tpu.vector_load %arg8[%get3A_310] {strides = array<i32>} : memref<5024xf32, #tpu.memory_space<vmem>>, vector<16xf32>,
      %get3A_312 = arith.index_cast %add3A_305 : i32 to index
      %get3A_313 = tpu.vector_load %arg8[%get3A_312] {strides = array<i32>} : memref<5024xf32, #tpu.memory_space<vmem>>, vector<16xf32>,
      %sub3A_314 = arith.subf %get3A_307, %get3A_309 : vector<16xf32>
      %add3A_315 = arith.constant 9.99999993E-9 : f32
      %add3A_316 = vector.broadcast %add3A_315 : f32 to vector<16xf32>
      %add3A_317 = arith.addf %get3A_313, %add3A_316 : vector<16xf32>
      %mul3A_318 = vector.broadcast %while3A : f32 to vector<16xf32>
      %mul3A_319 = arith.mulf %mul3A_318, %add3A_317 : vector<16xf32>
      %lt3A_320 = arith.cmpf olt, %get3A_311, %mul3A_319 : vector<16xf32>
      %broadcast_in_dim3A_321 = vector.broadcast %while3A_76 : f32 to vector<16xf32>
      %broadcast_in_dim3A_322 = vector.broadcast %while3A_77 : f32 to vector<16xf32>
      %select_n3A_323 = arith.select %lt3A_320, %broadcast_in_dim3A_321, %broadcast_in_dim3A_322 : vector<16xi1>, vector<16xf32>
      %mul3A_324 = vector.broadcast %while3A_78 : f32 to vector<16xf32>
      %mul3A_325 = arith.mulf %mul3A_324, %add3A_317 : vector<16xf32>
      %gt3A_326 = arith.cmpf ogt, %get3A_311, %mul3A_325 : vector<16xf32>
      %broadcast_in_dim3A_327 = vector.broadcast %while3A_76 : f32 to vector<16xf32>
      %broadcast_in_dim3A_328 = vector.broadcast %while3A_77 : f32 to vector<16xf32>
      %select_n3A_329 = arith.select %gt3A_326, %broadcast_in_dim3A_327, %broadcast_in_dim3A_328 : vector<16xi1>, vector<16xf32>
      %mul3A_330 = arith.mulf %select_n3A_323, %select_n3A_329 : vector<16xf32>
      %sub3A_331 = arith.subf %select_n3A_329, %select_n3A_323 : vector<16xf32>
      %sub3A_332 = vector.broadcast %while3A_76 : f32 to vector<16xf32>
      %sub3A_333 = arith.subf %sub3A_332, %mul3A_330 : vector<16xf32>
      %mul3A_334 = arith.mulf %sub3A_314, %sub3A_314 : vector<16xf32>
      %mul3A_335 = arith.mulf %mul3A_334, %mul3A_330 : vector<16xf32>
      %neg3A_336 = arith.constant 0.000000e+00 : f32
      %neg3A_337 = vector.broadcast %neg3A_336 : f32 to vector<16xf32>
      %neg3A_338 = arith.subf %neg3A_337, %sub3A_314 : vector<16xf32>
      %mul3A_339 = arith.mulf %neg3A_338, %sub3A_331 : vector<16xf32>
      %exp3A_340 = math.exp %mul3A_339 : vector<16xf32>
      %mul3A_341 = arith.mulf %sub3A_333, %exp3A_340 : vector<16xf32>
      %add3A_342 = vector.broadcast %while3A_76 : f32 to vector<16xf32>
      %add3A_343 = arith.addf %add3A_342, %mul3A_341 : vector<16xf32>
      %add3A_344 = arith.addf %mul3A_293, %mul3A_335 : vector<16xf32>
      %add3A_345 = arith.addf %while3A_255, %add3A_344 : vector<16xf32>
      %mul3A_346 = arith.mulf %while3A_257, %add3A_301 : vector<16xf32>
      %mul3A_347 = arith.mulf %mul3A_346, %add3A_343 : vector<16xf32>
      %bitcast3A_348 = vector.bitcast %mul3A_347 : vector<16xf32> to vector<16xi32>
      %shift_right_logical3A_349 = arith.constant 23 : i32
      %shift_right_logical3A_350 = vector.broadcast %shift_right_logical3A_349 : i32 to vector<16xi32>
      %shift_right_logical3A_351 = arith.shrui %bitcast3A_348, %shift_right_logical3A_350 : vector<16xi32>
      %sub3A_352 = arith.constant 127 : i32
      %sub3A_353 = vector.broadcast %sub3A_352 : i32 to vector<16xi32>
      %sub3A_354 = arith.subi %shift_right_logical3A_351, %sub3A_353 : vector<16xi32>
      %add3A_355 = arith.addi %while3A_256, %sub3A_354 : vector<16xi32>
      %and3A_356 = vector.broadcast %while3A_79 : i32 to vector<16xi32>
      %and3A_357 = arith.andi %bitcast3A_348, %and3A_356 : vector<16xi32>
      %or3A_358 = vector.broadcast %while3A_80 : i32 to vector<16xi32>
      %or3A_359 = arith.ori %and3A_357, %or3A_358 : vector<16xi32>
      %bitcast3A_360 = vector.bitcast %or3A_359 : vector<16xi32> to vector<16xf32>
      scf.yield %add3A_345, %add3A_355, %bitcast3A_360 : vector<16xf32>, vector<16xi32>, vector<16xf32>
    }
    %dma_wait3A_93 = arith.constant 1248 : i32
    %dma_wait3A_94 = tpu.memref_slice %arg7[%dma_wait3A_93] : memref<5024xf32, #tpu.memory_space<vmem>> -> memref<1264xf32, #tpu.memory_space<vmem>>
    %dma_wait3A_95 = arith.constant 1248 : i32
    %dma_wait3A_96 = tpu.memref_slice %arg6[%dma_wait3A_95] : memref<5024xi32, #tpu.memory_space<vmem>> -> memref<1264xi32, #tpu.memory_space<vmem>>
    %dma_wait3A_97 = arith.constant 0 : i32
    %dma_wait3A_98 = tpu.memref_slice %arg2[%dma_wait3A_97] : memref<1048576xf32, #tpu.memory_space<hbm>> -> memref<1048576xf32, #tpu.memory_space<hbm>>
    tpu.wait_indirect_dma semaphore(%arg13 : memref<!tpu.dma_semaphore, #tpu.memory_space<semaphore_mem>>) src(%dma_wait3A_98 : memref<1048576xf32, #tpu.memory_space<hbm>>) dst(%dma_wait3A_94 : memref<1264xf32, #tpu.memory_space<vmem>>)
    %dma_wait3A_99 = arith.constant 1248 : i32
    %dma_wait3A_100 = tpu.memref_slice %arg8[%dma_wait3A_99] : memref<5024xf32, #tpu.memory_space<vmem>> -> memref<1264xf32, #tpu.memory_space<vmem>>
    %dma_wait3A_101 = arith.constant 1248 : i32
    %dma_wait3A_102 = tpu.memref_slice %arg6[%dma_wait3A_101] : memref<5024xi32, #tpu.memory_space<vmem>> -> memref<1264xi32, #tpu.memory_space<vmem>>
    %dma_wait3A_103 = arith.constant 0 : i32
    %dma_wait3A_104 = tpu.memref_slice %arg3[%dma_wait3A_103] : memref<1048576xf32, #tpu.memory_space<hbm>> -> memref<1048576xf32, #tpu.memory_space<hbm>>
    tpu.wait_indirect_dma semaphore(%arg13 : memref<!tpu.dma_semaphore, #tpu.memory_space<semaphore_mem>>) src(%dma_wait3A_104 : memref<1048576xf32, #tpu.memory_space<hbm>>) dst(%dma_wait3A_100 : memref<1264xf32, #tpu.memory_space<vmem>>)
    %dma_wait3A_105 = arith.constant 3760 : i32
    %dma_wait3A_106 = tpu.memref_slice %arg7[%dma_wait3A_105] : memref<5024xf32, #tpu.memory_space<vmem>> -> memref<1264xf32, #tpu.memory_space<vmem>>
    %dma_wait3A_107 = arith.constant 3760 : i32
    %dma_wait3A_108 = tpu.memref_slice %arg6[%dma_wait3A_107] : memref<5024xi32, #tpu.memory_space<vmem>> -> memref<1264xi32, #tpu.memory_space<vmem>>
    %dma_wait3A_109 = arith.constant 0 : i32
    %dma_wait3A_110 = tpu.memref_slice %arg2[%dma_wait3A_109] : memref<1048576xf32, #tpu.memory_space<hbm>> -> memref<1048576xf32, #tpu.memory_space<hbm>>
    tpu.wait_indirect_dma semaphore(%arg13 : memref<!tpu.dma_semaphore, #tpu.memory_space<semaphore_mem>>) src(%dma_wait3A_110 : memref<1048576xf32, #tpu.memory_space<hbm>>) dst(%dma_wait3A_106 : memref<1264xf32, #tpu.memory_space<vmem>>)
    %dma_wait3A_111 = arith.constant 3760 : i32
    %dma_wait3A_112 = tpu.memref_slice %arg8[%dma_wait3A_111] : memref<5024xf32, #tpu.memory_space<vmem>> -> memref<1264xf32, #tpu.memory_space<vmem>>
    %dma_wait3A_113 = arith.constant 3760 : i32
    %dma_wait3A_114 = tpu.memref_slice %arg6[%dma_wait3A_113] : memref<5024xi32, #tpu.memory_space<vmem>> -> memref<1264xi32, #tpu.memory_space<vmem>>
    %dma_wait3A_115 = arith.constant 0 : i32
    %dma_wait3A_116 = tpu.memref_slice %arg3[%dma_wait3A_115] : memref<1048576xf32, #tpu.memory_space<hbm>> -> memref<1048576xf32, #tpu.memory_space<hbm>>
    tpu.wait_indirect_dma semaphore(%arg13 : memref<!tpu.dma_semaphore, #tpu.memory_space<semaphore_mem>>) src(%dma_wait3A_116 : memref<1048576xf32, #tpu.memory_space<hbm>>) dst(%dma_wait3A_112 : memref<1264xf32, #tpu.memory_space<vmem>>)
    %while3A_117 = arith.constant 1.030000e+00 : f32
    %while3A_118 = arith.constant 1.000000e+00 : f32
    %while3A_119 = arith.constant 0.000000e+00 : f32
    %while3A_120 = arith.constant 0.970873773 : f32
    %while3A_121 = arith.constant 8388607 : i32
    %while3A_122 = arith.constant 1065353216 : i32
    %while3A_123 = arith.constant 39 : i32
    %while3A_124 = arith.constant 78 : i32
    %while3A_125 = arith.subi %while3A_124, %while3A_123 : i32
    %while3A_126 = arith.addi %while3A_123, %while3A_125 : i32
    %while3A_127 = arith.constant 1 : i32
    %while3A_128 = arith.divsi %while3A_125, %while3A_127 : i32
    %while3A_129 = arith.muli %while3A_128, %while3A_127 : i32
    %while3A_130 = arith.addi %while3A_123, %while3A_129 : i32
    %while3A_131 = arith.constant 1 : i32
    %while3A_132:3 = scf.for %while3A_254 = %while3A_123 to %while3A_130 step %while3A_131 iter_args(%while3A_255 = %while3A_92#0, %while3A_256 = %while3A_92#1, %while3A_257 = %while3A_92#2) -> (vector<16xf32>, vector<16xi32>, vector<16xf32>)  : i32 {
      %mul3A_258 = arith.constant 32 : i32
      %mul3A_259 = arith.muli %while3A_254, %mul3A_258 : i32
      %multiple_of3A_260 = tpu.assume_multiple %mul3A_259, 16 : i32
      %add3A_261 = arith.constant 2512 : i32
      %add3A_262 = arith.addi %add3A_261, %mul3A_259 : i32
      %multiple_of3A_263 = tpu.assume_multiple %add3A_262, 16 : i32
      %get3A_264 = arith.index_cast %multiple_of3A_260 : i32 to index
      %get3A_265 = tpu.vector_load %arg7[%get3A_264] {strides = array<i32>} : memref<5024xf32, #tpu.memory_space<vmem>>, vector<16xf32>,
      %get3A_266 = arith.index_cast %multiple_of3A_263 : i32 to index
      %get3A_267 = tpu.vector_load %arg7[%get3A_266] {strides = array<i32>} : memref<5024xf32, #tpu.memory_space<vmem>>, vector<16xf32>,
      %get3A_268 = arith.index_cast %multiple_of3A_260 : i32 to index
      %get3A_269 = tpu.vector_load %arg8[%get3A_268] {strides = array<i32>} : memref<5024xf32, #tpu.memory_space<vmem>>, vector<16xf32>,
      %get3A_270 = arith.index_cast %multiple_of3A_263 : i32 to index
      %get3A_271 = tpu.vector_load %arg8[%get3A_270] {strides = array<i32>} : memref<5024xf32, #tpu.memory_space<vmem>>, vector<16xf32>,
      %sub3A_272 = arith.subf %get3A_265, %get3A_267 : vector<16xf32>
      %add3A_273 = arith.constant 9.99999993E-9 : f32
      %add3A_274 = vector.broadcast %add3A_273 : f32 to vector<16xf32>
      %add3A_275 = arith.addf %get3A_271, %add3A_274 : vector<16xf32>
      %mul3A_276 = vector.broadcast %while3A_117 : f32 to vector<16xf32>
      %mul3A_277 = arith.mulf %mul3A_276, %add3A_275 : vector<16xf32>
      %lt3A_278 = arith.cmpf olt, %get3A_269, %mul3A_277 : vector<16xf32>
      %broadcast_in_dim3A_279 = vector.broadcast %while3A_118 : f32 to vector<16xf32>
      %broadcast_in_dim3A_280 = vector.broadcast %while3A_119 : f32 to vector<16xf32>
      %select_n3A_281 = arith.select %lt3A_278, %broadcast_in_dim3A_279, %broadcast_in_dim3A_280 : vector<16xi1>, vector<16xf32>
      %mul3A_282 = vector.broadcast %while3A_120 : f32 to vector<16xf32>
      %mul3A_283 = arith.mulf %mul3A_282, %add3A_275 : vector<16xf32>
      %gt3A_284 = arith.cmpf ogt, %get3A_269, %mul3A_283 : vector<16xf32>
      %broadcast_in_dim3A_285 = vector.broadcast %while3A_118 : f32 to vector<16xf32>
      %broadcast_in_dim3A_286 = vector.broadcast %while3A_119 : f32 to vector<16xf32>
      %select_n3A_287 = arith.select %gt3A_284, %broadcast_in_dim3A_285, %broadcast_in_dim3A_286 : vector<16xi1>, vector<16xf32>
      %mul3A_288 = arith.mulf %select_n3A_281, %select_n3A_287 : vector<16xf32>
      %sub3A_289 = arith.subf %select_n3A_287, %select_n3A_281 : vector<16xf32>
      %sub3A_290 = vector.broadcast %while3A_118 : f32 to vector<16xf32>
      %sub3A_291 = arith.subf %sub3A_290, %mul3A_288 : vector<16xf32>
      %mul3A_292 = arith.mulf %sub3A_272, %sub3A_272 : vector<16xf32>
      %mul3A_293 = arith.mulf %mul3A_292, %mul3A_288 : vector<16xf32>
      %neg3A_294 = arith.constant 0.000000e+00 : f32
      %neg3A_295 = vector.broadcast %neg3A_294 : f32 to vector<16xf32>
      %neg3A_296 = arith.subf %neg3A_295, %sub3A_272 : vector<16xf32>
      %mul3A_297 = arith.mulf %neg3A_296, %sub3A_289 : vector<16xf32>
      %exp3A_298 = math.exp %mul3A_297 : vector<16xf32>
      %mul3A_299 = arith.mulf %sub3A_291, %exp3A_298 : vector<16xf32>
      %add3A_300 = vector.broadcast %while3A_118 : f32 to vector<16xf32>
      %add3A_301 = arith.addf %add3A_300, %mul3A_299 : vector<16xf32>
      %add3A_302 = arith.constant 16 : i32
      %add3A_303 = arith.addi %multiple_of3A_260, %add3A_302 : i32
      %add3A_304 = arith.constant 16 : i32
      %add3A_305 = arith.addi %multiple_of3A_263, %add3A_304 : i32
      %get3A_306 = arith.index_cast %add3A_303 : i32 to index
      %get3A_307 = tpu.vector_load %arg7[%get3A_306] {strides = array<i32>} : memref<5024xf32, #tpu.memory_space<vmem>>, vector<16xf32>,
      %get3A_308 = arith.index_cast %add3A_305 : i32 to index
      %get3A_309 = tpu.vector_load %arg7[%get3A_308] {strides = array<i32>} : memref<5024xf32, #tpu.memory_space<vmem>>, vector<16xf32>,
      %get3A_310 = arith.index_cast %add3A_303 : i32 to index
      %get3A_311 = tpu.vector_load %arg8[%get3A_310] {strides = array<i32>} : memref<5024xf32, #tpu.memory_space<vmem>>, vector<16xf32>,
      %get3A_312 = arith.index_cast %add3A_305 : i32 to index
      %get3A_313 = tpu.vector_load %arg8[%get3A_312] {strides = array<i32>} : memref<5024xf32, #tpu.memory_space<vmem>>, vector<16xf32>,
      %sub3A_314 = arith.subf %get3A_307, %get3A_309 : vector<16xf32>
      %add3A_315 = arith.constant 9.99999993E-9 : f32
      %add3A_316 = vector.broadcast %add3A_315 : f32 to vector<16xf32>
      %add3A_317 = arith.addf %get3A_313, %add3A_316 : vector<16xf32>
      %mul3A_318 = vector.broadcast %while3A_117 : f32 to vector<16xf32>
      %mul3A_319 = arith.mulf %mul3A_318, %add3A_317 : vector<16xf32>
      %lt3A_320 = arith.cmpf olt, %get3A_311, %mul3A_319 : vector<16xf32>
      %broadcast_in_dim3A_321 = vector.broadcast %while3A_118 : f32 to vector<16xf32>
      %broadcast_in_dim3A_322 = vector.broadcast %while3A_119 : f32 to vector<16xf32>
      %select_n3A_323 = arith.select %lt3A_320, %broadcast_in_dim3A_321, %broadcast_in_dim3A_322 : vector<16xi1>, vector<16xf32>
      %mul3A_324 = vector.broadcast %while3A_120 : f32 to vector<16xf32>
      %mul3A_325 = arith.mulf %mul3A_324, %add3A_317 : vector<16xf32>
      %gt3A_326 = arith.cmpf ogt, %get3A_311, %mul3A_325 : vector<16xf32>
      %broadcast_in_dim3A_327 = vector.broadcast %while3A_118 : f32 to vector<16xf32>
      %broadcast_in_dim3A_328 = vector.broadcast %while3A_119 : f32 to vector<16xf32>
      %select_n3A_329 = arith.select %gt3A_326, %broadcast_in_dim3A_327, %broadcast_in_dim3A_328 : vector<16xi1>, vector<16xf32>
      %mul3A_330 = arith.mulf %select_n3A_323, %select_n3A_329 : vector<16xf32>
      %sub3A_331 = arith.subf %select_n3A_329, %select_n3A_323 : vector<16xf32>
      %sub3A_332 = vector.broadcast %while3A_118 : f32 to vector<16xf32>
      %sub3A_333 = arith.subf %sub3A_332, %mul3A_330 : vector<16xf32>
      %mul3A_334 = arith.mulf %sub3A_314, %sub3A_314 : vector<16xf32>
      %mul3A_335 = arith.mulf %mul3A_334, %mul3A_330 : vector<16xf32>
      %neg3A_336 = arith.constant 0.000000e+00 : f32
      %neg3A_337 = vector.broadcast %neg3A_336 : f32 to vector<16xf32>
      %neg3A_338 = arith.subf %neg3A_337, %sub3A_314 : vector<16xf32>
      %mul3A_339 = arith.mulf %neg3A_338, %sub3A_331 : vector<16xf32>
      %exp3A_340 = math.exp %mul3A_339 : vector<16xf32>
      %mul3A_341 = arith.mulf %sub3A_333, %exp3A_340 : vector<16xf32>
      %add3A_342 = vector.broadcast %while3A_118 : f32 to vector<16xf32>
      %add3A_343 = arith.addf %add3A_342, %mul3A_341 : vector<16xf32>
      %add3A_344 = arith.addf %mul3A_293, %mul3A_335 : vector<16xf32>
      %add3A_345 = arith.addf %while3A_255, %add3A_344 : vector<16xf32>
      %mul3A_346 = arith.mulf %while3A_257, %add3A_301 : vector<16xf32>
      %mul3A_347 = arith.mulf %mul3A_346, %add3A_343 : vector<16xf32>
      %bitcast3A_348 = vector.bitcast %mul3A_347 : vector<16xf32> to vector<16xi32>
      %shift_right_logical3A_349 = arith.constant 23 : i32
      %shift_right_logical3A_350 = vector.broadcast %shift_right_logical3A_349 : i32 to vector<16xi32>
      %shift_right_logical3A_351 = arith.shrui %bitcast3A_348, %shift_right_logical3A_350 : vector<16xi32>
      %sub3A_352 = arith.constant 127 : i32
      %sub3A_353 = vector.broadcast %sub3A_352 : i32 to vector<16xi32>
      %sub3A_354 = arith.subi %shift_right_logical3A_351, %sub3A_353 : vector<16xi32>
      %add3A_355 = arith.addi %while3A_256, %sub3A_354 : vector<16xi32>
      %and3A_356 = vector.broadcast %while3A_121 : i32 to vector<16xi32>
      %and3A_357 = arith.andi %bitcast3A_348, %and3A_356 : vector<16xi32>
      %or3A_358 = vector.broadcast %while3A_122 : i32 to vector<16xi32>
      %or3A_359 = arith.ori %and3A_357, %or3A_358 : vector<16xi32>
      %bitcast3A_360 = vector.bitcast %or3A_359 : vector<16xi32> to vector<16xf32>
      scf.yield %add3A_345, %add3A_355, %bitcast3A_360 : vector<16xf32>, vector<16xi32>, vector<16xf32>
    }
    %while3A_133 = arith.constant 1 : i32
    %while3A_134:3 = scf.for %while3A_254 = %while3A_130 to %while3A_126 step %while3A_133 iter_args(%while3A_255 = %while3A_132#0, %while3A_256 = %while3A_132#1, %while3A_257 = %while3A_132#2) -> (vector<16xf32>, vector<16xi32>, vector<16xf32>)  : i32 {
      %mul3A_258 = arith.constant 32 : i32
      %mul3A_259 = arith.muli %while3A_254, %mul3A_258 : i32
      %multiple_of3A_260 = tpu.assume_multiple %mul3A_259, 16 : i32
      %add3A_261 = arith.constant 2512 : i32
      %add3A_262 = arith.addi %add3A_261, %mul3A_259 : i32
      %multiple_of3A_263 = tpu.assume_multiple %add3A_262, 16 : i32
      %get3A_264 = arith.index_cast %multiple_of3A_260 : i32 to index
      %get3A_265 = tpu.vector_load %arg7[%get3A_264] {strides = array<i32>} : memref<5024xf32, #tpu.memory_space<vmem>>, vector<16xf32>,
      %get3A_266 = arith.index_cast %multiple_of3A_263 : i32 to index
      %get3A_267 = tpu.vector_load %arg7[%get3A_266] {strides = array<i32>} : memref<5024xf32, #tpu.memory_space<vmem>>, vector<16xf32>,
      %get3A_268 = arith.index_cast %multiple_of3A_260 : i32 to index
      %get3A_269 = tpu.vector_load %arg8[%get3A_268] {strides = array<i32>} : memref<5024xf32, #tpu.memory_space<vmem>>, vector<16xf32>,
      %get3A_270 = arith.index_cast %multiple_of3A_263 : i32 to index
      %get3A_271 = tpu.vector_load %arg8[%get3A_270] {strides = array<i32>} : memref<5024xf32, #tpu.memory_space<vmem>>, vector<16xf32>,
      %sub3A_272 = arith.subf %get3A_265, %get3A_267 : vector<16xf32>
      %add3A_273 = arith.constant 9.99999993E-9 : f32
      %add3A_274 = vector.broadcast %add3A_273 : f32 to vector<16xf32>
      %add3A_275 = arith.addf %get3A_271, %add3A_274 : vector<16xf32>
      %mul3A_276 = vector.broadcast %while3A_117 : f32 to vector<16xf32>
      %mul3A_277 = arith.mulf %mul3A_276, %add3A_275 : vector<16xf32>
      %lt3A_278 = arith.cmpf olt, %get3A_269, %mul3A_277 : vector<16xf32>
      %broadcast_in_dim3A_279 = vector.broadcast %while3A_118 : f32 to vector<16xf32>
      %broadcast_in_dim3A_280 = vector.broadcast %while3A_119 : f32 to vector<16xf32>
      %select_n3A_281 = arith.select %lt3A_278, %broadcast_in_dim3A_279, %broadcast_in_dim3A_280 : vector<16xi1>, vector<16xf32>
      %mul3A_282 = vector.broadcast %while3A_120 : f32 to vector<16xf32>
      %mul3A_283 = arith.mulf %mul3A_282, %add3A_275 : vector<16xf32>
      %gt3A_284 = arith.cmpf ogt, %get3A_269, %mul3A_283 : vector<16xf32>
      %broadcast_in_dim3A_285 = vector.broadcast %while3A_118 : f32 to vector<16xf32>
      %broadcast_in_dim3A_286 = vector.broadcast %while3A_119 : f32 to vector<16xf32>
      %select_n3A_287 = arith.select %gt3A_284, %broadcast_in_dim3A_285, %broadcast_in_dim3A_286 : vector<16xi1>, vector<16xf32>
      %mul3A_288 = arith.mulf %select_n3A_281, %select_n3A_287 : vector<16xf32>
      %sub3A_289 = arith.subf %select_n3A_287, %select_n3A_281 : vector<16xf32>
      %sub3A_290 = vector.broadcast %while3A_118 : f32 to vector<16xf32>
      %sub3A_291 = arith.subf %sub3A_290, %mul3A_288 : vector<16xf32>
      %mul3A_292 = arith.mulf %sub3A_272, %sub3A_272 : vector<16xf32>
      %mul3A_293 = arith.mulf %mul3A_292, %mul3A_288 : vector<16xf32>
      %neg3A_294 = arith.constant 0.000000e+00 : f32
      %neg3A_295 = vector.broadcast %neg3A_294 : f32 to vector<16xf32>
      %neg3A_296 = arith.subf %neg3A_295, %sub3A_272 : vector<16xf32>
      %mul3A_297 = arith.mulf %neg3A_296, %sub3A_289 : vector<16xf32>
      %exp3A_298 = math.exp %mul3A_297 : vector<16xf32>
      %mul3A_299 = arith.mulf %sub3A_291, %exp3A_298 : vector<16xf32>
      %add3A_300 = vector.broadcast %while3A_118 : f32 to vector<16xf32>
      %add3A_301 = arith.addf %add3A_300, %mul3A_299 : vector<16xf32>
      %add3A_302 = arith.constant 16 : i32
      %add3A_303 = arith.addi %multiple_of3A_260, %add3A_302 : i32
      %add3A_304 = arith.constant 16 : i32
      %add3A_305 = arith.addi %multiple_of3A_263, %add3A_304 : i32
      %get3A_306 = arith.index_cast %add3A_303 : i32 to index
      %get3A_307 = tpu.vector_load %arg7[%get3A_306] {strides = array<i32>} : memref<5024xf32, #tpu.memory_space<vmem>>, vector<16xf32>,
      %get3A_308 = arith.index_cast %add3A_305 : i32 to index
      %get3A_309 = tpu.vector_load %arg7[%get3A_308] {strides = array<i32>} : memref<5024xf32, #tpu.memory_space<vmem>>, vector<16xf32>,
      %get3A_310 = arith.index_cast %add3A_303 : i32 to index
      %get3A_311 = tpu.vector_load %arg8[%get3A_310] {strides = array<i32>} : memref<5024xf32, #tpu.memory_space<vmem>>, vector<16xf32>,
      %get3A_312 = arith.index_cast %add3A_305 : i32 to index
      %get3A_313 = tpu.vector_load %arg8[%get3A_312] {strides = array<i32>} : memref<5024xf32, #tpu.memory_space<vmem>>, vector<16xf32>,
      %sub3A_314 = arith.subf %get3A_307, %get3A_309 : vector<16xf32>
      %add3A_315 = arith.constant 9.99999993E-9 : f32
      %add3A_316 = vector.broadcast %add3A_315 : f32 to vector<16xf32>
      %add3A_317 = arith.addf %get3A_313, %add3A_316 : vector<16xf32>
      %mul3A_318 = vector.broadcast %while3A_117 : f32 to vector<16xf32>
      %mul3A_319 = arith.mulf %mul3A_318, %add3A_317 : vector<16xf32>
      %lt3A_320 = arith.cmpf olt, %get3A_311, %mul3A_319 : vector<16xf32>
      %broadcast_in_dim3A_321 = vector.broadcast %while3A_118 : f32 to vector<16xf32>
      %broadcast_in_dim3A_322 = vector.broadcast %while3A_119 : f32 to vector<16xf32>
      %select_n3A_323 = arith.select %lt3A_320, %broadcast_in_dim3A_321, %broadcast_in_dim3A_322 : vector<16xi1>, vector<16xf32>
      %mul3A_324 = vector.broadcast %while3A_120 : f32 to vector<16xf32>
      %mul3A_325 = arith.mulf %mul3A_324, %add3A_317 : vector<16xf32>
      %gt3A_326 = arith.cmpf ogt, %get3A_311, %mul3A_325 : vector<16xf32>
      %broadcast_in_dim3A_327 = vector.broadcast %while3A_118 : f32 to vector<16xf32>
      %broadcast_in_dim3A_328 = vector.broadcast %while3A_119 : f32 to vector<16xf32>
      %select_n3A_329 = arith.select %gt3A_326, %broadcast_in_dim3A_327, %broadcast_in_dim3A_328 : vector<16xi1>, vector<16xf32>
      %mul3A_330 = arith.mulf %select_n3A_323, %select_n3A_329 : vector<16xf32>
      %sub3A_331 = arith.subf %select_n3A_329, %select_n3A_323 : vector<16xf32>
      %sub3A_332 = vector.broadcast %while3A_118 : f32 to vector<16xf32>
      %sub3A_333 = arith.subf %sub3A_332, %mul3A_330 : vector<16xf32>
      %mul3A_334 = arith.mulf %sub3A_314, %sub3A_314 : vector<16xf32>
      %mul3A_335 = arith.mulf %mul3A_334, %mul3A_330 : vector<16xf32>
      %neg3A_336 = arith.constant 0.000000e+00 : f32
      %neg3A_337 = vector.broadcast %neg3A_336 : f32 to vector<16xf32>
      %neg3A_338 = arith.subf %neg3A_337, %sub3A_314 : vector<16xf32>
      %mul3A_339 = arith.mulf %neg3A_338, %sub3A_331 : vector<16xf32>
      %exp3A_340 = math.exp %mul3A_339 : vector<16xf32>
      %mul3A_341 = arith.mulf %sub3A_333, %exp3A_340 : vector<16xf32>
      %add3A_342 = vector.broadcast %while3A_118 : f32 to vector<16xf32>
      %add3A_343 = arith.addf %add3A_342, %mul3A_341 : vector<16xf32>
      %add3A_344 = arith.addf %mul3A_293, %mul3A_335 : vector<16xf32>
      %add3A_345 = arith.addf %while3A_255, %add3A_344 : vector<16xf32>
      %mul3A_346 = arith.mulf %while3A_257, %add3A_301 : vector<16xf32>
      %mul3A_347 = arith.mulf %mul3A_346, %add3A_343 : vector<16xf32>
      %bitcast3A_348 = vector.bitcast %mul3A_347 : vector<16xf32> to vector<16xi32>
      %shift_right_logical3A_349 = arith.constant 23 : i32
      %shift_right_logical3A_350 = vector.broadcast %shift_right_logical3A_349 : i32 to vector<16xi32>
      %shift_right_logical3A_351 = arith.shrui %bitcast3A_348, %shift_right_logical3A_350 : vector<16xi32>
      %sub3A_352 = arith.constant 127 : i32
      %sub3A_353 = vector.broadcast %sub3A_352 : i32 to vector<16xi32>
      %sub3A_354 = arith.subi %shift_right_logical3A_351, %sub3A_353 : vector<16xi32>
      %add3A_355 = arith.addi %while3A_256, %sub3A_354 : vector<16xi32>
      %and3A_356 = vector.broadcast %while3A_121 : i32 to vector<16xi32>
      %and3A_357 = arith.andi %bitcast3A_348, %and3A_356 : vector<16xi32>
      %or3A_358 = vector.broadcast %while3A_122 : i32 to vector<16xi32>
      %or3A_359 = arith.ori %and3A_357, %or3A_358 : vector<16xi32>
      %bitcast3A_360 = vector.bitcast %or3A_359 : vector<16xi32> to vector<16xf32>
      scf.yield %add3A_345, %add3A_355, %bitcast3A_360 : vector<16xf32>, vector<16xi32>, vector<16xf32>
    }
    %add3A_135 = arith.constant 2496 : i32
    %add3A_136 = vector.broadcast %add3A_135 : i32 to vector<16xi32>
    %add3A_137 = arith.addi %add3A_136, %iota3A : vector<16xi32>
    %lt3A = arith.constant 2500 : i32
    %lt3A_138 = vector.broadcast %lt3A : i32 to vector<16xi32>
    %lt3A_139 = arith.cmpi slt, %add3A_137, %lt3A_138 : vector<16xi32>
    %jit3A = arith.constant 1.000000e+00 : f32
    %jit3A_140 = arith.constant 0.000000e+00 : f32
    %broadcast_in_dim3A_141 = vector.broadcast %jit3A : f32 to vector<16xf32>
    %broadcast_in_dim3A_142 = vector.broadcast %jit3A_140 : f32 to vector<16xf32>
    %select_n3A = arith.select %lt3A_139, %broadcast_in_dim3A_141, %broadcast_in_dim3A_142 : vector<16xi1>, vector<16xf32>
    %get3A = arith.constant 2496 : index
    %get3A_143 = tpu.vector_load %arg7[%get3A] {strides = array<i32>} : memref<5024xf32, #tpu.memory_space<vmem>>, vector<16xf32>,
    %get3A_144 = arith.constant 5008 : index
    %get3A_145 = tpu.vector_load %arg7[%get3A_144] {strides = array<i32>} : memref<5024xf32, #tpu.memory_space<vmem>>, vector<16xf32>,
    %get3A_146 = arith.constant 2496 : index
    %get3A_147 = tpu.vector_load %arg8[%get3A_146] {strides = array<i32>} : memref<5024xf32, #tpu.memory_space<vmem>>, vector<16xf32>,
    %get3A_148 = arith.constant 5008 : index
    %get3A_149 = tpu.vector_load %arg8[%get3A_148] {strides = array<i32>} : memref<5024xf32, #tpu.memory_space<vmem>>, vector<16xf32>,
    %sub3A = arith.subf %get3A_143, %get3A_145 : vector<16xf32>
    %add3A_150 = arith.constant 9.99999993E-9 : f32
    %add3A_151 = vector.broadcast %add3A_150 : f32 to vector<16xf32>
    %add3A_152 = arith.addf %get3A_149, %add3A_151 : vector<16xf32>
    %mul3A_153 = arith.constant 1.030000e+00 : f32
    %mul3A_154 = vector.broadcast %mul3A_153 : f32 to vector<16xf32>
    %mul3A_155 = arith.mulf %mul3A_154, %add3A_152 : vector<16xf32>
    %lt3A_156 = arith.cmpf olt, %get3A_147, %mul3A_155 : vector<16xf32>
    %jit3A_157 = arith.constant 1.000000e+00 : f32
    %jit3A_158 = arith.constant 0.000000e+00 : f32
    %broadcast_in_dim3A_159 = vector.broadcast %jit3A_157 : f32 to vector<16xf32>
    %broadcast_in_dim3A_160 = vector.broadcast %jit3A_158 : f32 to vector<16xf32>
    %select_n3A_161 = arith.select %lt3A_156, %broadcast_in_dim3A_159, %broadcast_in_dim3A_160 : vector<16xi1>, vector<16xf32>
    %mul3A_162 = arith.constant 0.970873773 : f32
    %mul3A_163 = vector.broadcast %mul3A_162 : f32 to vector<16xf32>
    %mul3A_164 = arith.mulf %mul3A_163, %add3A_152 : vector<16xf32>
    %gt3A = arith.cmpf ogt, %get3A_147, %mul3A_164 : vector<16xf32>
    %jit3A_165 = arith.constant 1.000000e+00 : f32
    %jit3A_166 = arith.constant 0.000000e+00 : f32
    %broadcast_in_dim3A_167 = vector.broadcast %jit3A_165 : f32 to vector<16xf32>
    %broadcast_in_dim3A_168 = vector.broadcast %jit3A_166 : f32 to vector<16xf32>
    %select_n3A_169 = arith.select %gt3A, %broadcast_in_dim3A_167, %broadcast_in_dim3A_168 : vector<16xi1>, vector<16xf32>
    %mul3A_170 = arith.mulf %select_n3A_161, %select_n3A_169 : vector<16xf32>
    %sub3A_171 = arith.subf %select_n3A_169, %select_n3A_161 : vector<16xf32>
    %sub3A_172 = arith.constant 1.000000e+00 : f32
    %sub3A_173 = vector.broadcast %sub3A_172 : f32 to vector<16xf32>
    %sub3A_174 = arith.subf %sub3A_173, %mul3A_170 : vector<16xf32>
    %mul3A_175 = arith.mulf %sub3A_174, %select_n3A : vector<16xf32>
    %mul3A_176 = arith.mulf %sub3A, %sub3A : vector<16xf32>
    %mul3A_177 = arith.mulf %mul3A_176, %mul3A_170 : vector<16xf32>
    %mul3A_178 = arith.mulf %mul3A_177, %select_n3A : vector<16xf32>
    %neg3A = arith.constant 0.000000e+00 : f32
    %neg3A_179 = vector.broadcast %neg3A : f32 to vector<16xf32>
    %neg3A_180 = arith.subf %neg3A_179, %sub3A : vector<16xf32>
    %mul3A_181 = arith.mulf %neg3A_180, %sub3A_171 : vector<16xf32>
    %exp3A = math.exp %mul3A_181 : vector<16xf32>
    %mul3A_182 = arith.mulf %mul3A_175, %exp3A : vector<16xf32>
    %add3A_183 = arith.constant 1.000000e+00 : f32
    %add3A_184 = vector.broadcast %add3A_183 : f32 to vector<16xf32>
    %add3A_185 = arith.addf %add3A_184, %mul3A_182 : vector<16xf32>
    %add3A_186 = arith.addf %while3A_134#0, %mul3A_178 : vector<16xf32>
    %mul3A_187 = arith.mulf %while3A_134#2, %add3A_185 : vector<16xf32>
    %bitcast3A = vector.bitcast %mul3A_187 : vector<16xf32> to vector<16xi32>
    %shift_right_logical3A = arith.constant 23 : i32
    %shift_right_logical3A_188 = vector.broadcast %shift_right_logical3A : i32 to vector<16xi32>
    %shift_right_logical3A_189 = arith.shrui %bitcast3A, %shift_right_logical3A_188 : vector<16xi32>
    %sub3A_190 = arith.constant 127 : i32
    %sub3A_191 = vector.broadcast %sub3A_190 : i32 to vector<16xi32>
    %sub3A_192 = arith.subi %shift_right_logical3A_189, %sub3A_191 : vector<16xi32>
    %add3A_193 = arith.addi %while3A_134#1, %sub3A_192 : vector<16xi32>
    %and3A = arith.constant 8388607 : i32
    %and3A_194 = vector.broadcast %and3A : i32 to vector<16xi32>
    %and3A_195 = arith.andi %bitcast3A, %and3A_194 : vector<16xi32>
    %or3A = arith.constant 1065353216 : i32
    %or3A_196 = vector.broadcast %or3A : i32 to vector<16xi32>
    %or3A_197 = arith.ori %and3A_195, %or3A_196 : vector<16xi32>
    %bitcast3A_198 = vector.bitcast %or3A_197 : vector<16xi32> to vector<16xf32>
    %sub3A_199 = arith.constant 1.500000e+00 : f32
    %sub3A_200 = vector.broadcast %sub3A_199 : f32 to vector<16xf32>
    %sub3A_201 = arith.subf %bitcast3A_198, %sub3A_200 : vector<16xf32>
    %broadcast_in_dim3A_202 = arith.constant 0.00370507035 : f32
    %broadcast_in_dim3A_203 = vector.broadcast %broadcast_in_dim3A_202 : f32 to vector<16xf32>
    %mul3A_204 = arith.mulf %broadcast_in_dim3A_203, %sub3A_201 : vector<16xf32>
    %add3A_205 = arith.constant -0.00607487746 : f32
    %add3A_206 = vector.broadcast %add3A_205 : f32 to vector<16xf32>
    %add3A_207 = arith.addf %mul3A_204, %add3A_206 : vector<16xf32>
    %mul3A_208 = arith.mulf %add3A_207, %sub3A_201 : vector<16xf32>
    %add3A_209 = arith.constant 0.00815737899 : f32
    %add3A_210 = vector.broadcast %add3A_209 : f32 to vector<16xf32>
    %add3A_211 = arith.addf %mul3A_208, %add3A_210 : vector<16xf32>
    %mul3A_212 = arith.mulf %add3A_211, %sub3A_201 : vector<16xf32>
    %add3A_213 = arith.constant -0.0143728349 : f32
    %add3A_214 = vector.broadcast %add3A_213 : f32 to vector<16xf32>
    %add3A_215 = arith.addf %mul3A_212, %add3A_214 : vector<16xf32>
    %mul3A_216 = arith.mulf %add3A_215, %sub3A_201 : vector<16xf32>
    %add3A_217 = arith.constant 0.0263589956 : f32
    %add3A_218 = vector.broadcast %add3A_217 : f32 to vector<16xf32>
    %add3A_219 = arith.addf %mul3A_216, %add3A_218 : vector<16xf32>
    %mul3A_220 = arith.mulf %add3A_219, %sub3A_201 : vector<16xf32>
    %add3A_221 = arith.constant -0.0494048484 : f32
    %add3A_222 = vector.broadcast %add3A_221 : f32 to vector<16xf32>
    %add3A_223 = arith.addf %mul3A_220, %add3A_222 : vector<16xf32>
    %mul3A_224 = arith.mulf %add3A_223, %sub3A_201 : vector<16xf32>
    %add3A_225 = arith.constant 0.0987645164 : f32
    %add3A_226 = vector.broadcast %add3A_225 : f32 to vector<16xf32>
    %add3A_227 = arith.addf %mul3A_224, %add3A_226 : vector<16xf32>
    %mul3A_228 = arith.mulf %add3A_227, %sub3A_201 : vector<16xf32>
    %add3A_229 = arith.constant -0.222221568 : f32
    %add3A_230 = vector.broadcast %add3A_229 : f32 to vector<16xf32>
    %add3A_231 = arith.addf %mul3A_228, %add3A_230 : vector<16xf32>
    %mul3A_232 = arith.mulf %add3A_231, %sub3A_201 : vector<16xf32>
    %add3A_233 = arith.constant 0.666666686 : f32
    %add3A_234 = vector.broadcast %add3A_233 : f32 to vector<16xf32>
    %add3A_235 = arith.addf %mul3A_232, %add3A_234 : vector<16xf32>
    %mul3A_236 = arith.mulf %add3A_235, %sub3A_201 : vector<16xf32>
    %add3A_237 = arith.constant 0.405465096 : f32
    %add3A_238 = vector.broadcast %add3A_237 : f32 to vector<16xf32>
    %add3A_239 = arith.addf %mul3A_236, %add3A_238 : vector<16xf32>
    %mul3A_240 = arith.constant 1.000000e+00 : f32
    %mul3A_241 = vector.broadcast %mul3A_240 : f32 to vector<16xf32>
    %mul3A_242 = arith.mulf %mul3A_241, %add3A_186 : vector<16xf32>
    %convert_element_type3A = arith.sitofp %add3A_193 : vector<16xi32> to vector<16xf32>
    %mul3A_243 = arith.constant 0.693147182 : f32
    %mul3A_244 = vector.broadcast %mul3A_243 : f32 to vector<16xf32>
    %mul3A_245 = arith.mulf %convert_element_type3A, %mul3A_244 : vector<16xf32>
    %add3A_246 = arith.addf %mul3A_242, %mul3A_245 : vector<16xf32>
    %add3A_247 = arith.addf %add3A_246, %add3A_239 : vector<16xf32>
    %swap3A = arith.constant 0 : index
    %swap3A_248 = tpu.vector_load %arg9[%swap3A] {strides = array<i32>} : memref<16xf32, #tpu.memory_space<vmem>>, vector<16xf32>,
    tpu.vector_store %arg9[%swap3A], %add3A_247 {strides = array<i32>} : memref<16xf32, #tpu.memory_space<vmem>>, vector<16xf32>,
    %mul3A_249 = arith.constant 16 : i32
    %mul3A_250 = arith.muli %add3A, %mul3A_249 : i32
    %multiple_of3A = tpu.assume_multiple %mul3A_250, 8 : i32
    "tpu.region"() ({
      %run_scoped3A = tpu.sem_alloc : memref<!tpu.dma_semaphore, #tpu.memory_space<semaphore_mem>>
      %dma_start3A_254 = tpu.memref_slice %arg11[%multiple_of3A] : memref<256xf32, #tpu.memory_space<vmem_shared>> -> memref<16xf32, #tpu.memory_space<vmem_shared>>
      %dma_start3A_255 = tpu.memref_slice %arg11[%multiple_of3A] : memref<256xf32, #tpu.memory_space<vmem_shared>> -> memref<16xf32, #tpu.memory_space<vmem_shared>>
      tpu.enqueue_dma source(%arg9 : memref<16xf32, #tpu.memory_space<vmem>>) target(%dma_start3A_255 : memref<16xf32, #tpu.memory_space<vmem_shared>>) target_semaphore(%run_scoped3A : memref<!tpu.dma_semaphore, #tpu.memory_space<semaphore_mem>>)
      %dma_wait3A_256 = tpu.memref_slice %arg11[%multiple_of3A] : memref<256xf32, #tpu.memory_space<vmem_shared>> -> memref<16xf32, #tpu.memory_space<vmem_shared>>
      %dma_wait3A_257 = tpu.memref_slice %arg11[%multiple_of3A] : memref<256xf32, #tpu.memory_space<vmem_shared>> -> memref<16xf32, #tpu.memory_space<vmem_shared>>
      tpu.wait_dma2 semaphore(%run_scoped3A : memref<!tpu.dma_semaphore, #tpu.memory_space<semaphore_mem>>) src(%arg9 : memref<16xf32, #tpu.memory_space<vmem>>) dst(%dma_wait3A_257 : memref<16xf32, #tpu.memory_space<vmem_shared>>)
      tpu.yield
    }) : () -> ()
    %barrier3A = arith.constant 0 : index
    tpu.barrier barrier_id(%barrier3A)
    %eq3A = arith.constant 0 : i32
    %eq3A_251 = arith.cmpi eq, %add3A, %eq3A : i32
    %convert_element_type3A_252 = arith.extui %eq3A_251 : i1 to i32
    %cond3A = arith.constant 0 : i32
    %cond3A_253 = arith.cmpi ne, %convert_element_type3A_252, %cond3A : i32
    scf.if %cond3A_253 {
      "tpu.region"() ({
        %run_scoped3A = tpu.sem_alloc : memref<!tpu.dma_semaphore, #tpu.memory_space<semaphore_mem>>
        tpu.enqueue_dma source(%arg11 : memref<256xf32, #tpu.memory_space<vmem_shared>>) target(%arg10 : memref<256xf32, #tpu.memory_space<vmem>>) target_semaphore(%run_scoped3A : memref<!tpu.dma_semaphore, #tpu.memory_space<semaphore_mem>>)
        tpu.wait_dma2 semaphore(%run_scoped3A : memref<!tpu.dma_semaphore, #tpu.memory_space<semaphore_mem>>) src(%arg11 : memref<256xf32, #tpu.memory_space<vmem_shared>>) dst(%arg10 : memref<256xf32, #tpu.memory_space<vmem>>)
        tpu.yield
      }) : () -> ()
      %broadcast_in_dim3A_254 = arith.constant 0.000000e+00 : f32
      %broadcast_in_dim3A_255 = vector.broadcast %broadcast_in_dim3A_254 : f32 to vector<16xf32>
      %get3A_256 = arith.constant 0 : index
      %get3A_257 = tpu.vector_load %arg10[%get3A_256] {strides = array<i32>} : memref<256xf32, #tpu.memory_space<vmem>>, vector<16xf32>,
      %add3A_258 = arith.addf %broadcast_in_dim3A_255, %get3A_257 : vector<16xf32>
      %get3A_259 = arith.constant 16 : index
      %get3A_260 = tpu.vector_load %arg10[%get3A_259] {strides = array<i32>} : memref<256xf32, #tpu.memory_space<vmem>>, vector<16xf32>,
      %add3A_261 = arith.addf %add3A_258, %get3A_260 : vector<16xf32>
      %get3A_262 = arith.constant 32 : index
      %get3A_263 = tpu.vector_load %arg10[%get3A_262] {strides = array<i32>} : memref<256xf32, #tpu.memory_space<vmem>>, vector<16xf32>,
      %add3A_264 = arith.addf %add3A_261, %get3A_263 : vector<16xf32>
      %get3A_265 = arith.constant 48 : index
      %get3A_266 = tpu.vector_load %arg10[%get3A_265] {strides = array<i32>} : memref<256xf32, #tpu.memory_space<vmem>>, vector<16xf32>,
      %add3A_267 = arith.addf %add3A_264, %get3A_266 : vector<16xf32>
      %get3A_268 = arith.constant 64 : index
      %get3A_269 = tpu.vector_load %arg10[%get3A_268] {strides = array<i32>} : memref<256xf32, #tpu.memory_space<vmem>>, vector<16xf32>,
      %add3A_270 = arith.addf %add3A_267, %get3A_269 : vector<16xf32>
      %get3A_271 = arith.constant 80 : index
      %get3A_272 = tpu.vector_load %arg10[%get3A_271] {strides = array<i32>} : memref<256xf32, #tpu.memory_space<vmem>>, vector<16xf32>,
      %add3A_273 = arith.addf %add3A_270, %get3A_272 : vector<16xf32>
      %get3A_274 = arith.constant 96 : index
      %get3A_275 = tpu.vector_load %arg10[%get3A_274] {strides = array<i32>} : memref<256xf32, #tpu.memory_space<vmem>>, vector<16xf32>,
      %add3A_276 = arith.addf %add3A_273, %get3A_275 : vector<16xf32>
      %get3A_277 = arith.constant 112 : index
      %get3A_278 = tpu.vector_load %arg10[%get3A_277] {strides = array<i32>} : memref<256xf32, #tpu.memory_space<vmem>>, vector<16xf32>,
      %add3A_279 = arith.addf %add3A_276, %get3A_278 : vector<16xf32>
      %get3A_280 = arith.constant 128 : index
      %get3A_281 = tpu.vector_load %arg10[%get3A_280] {strides = array<i32>} : memref<256xf32, #tpu.memory_space<vmem>>, vector<16xf32>,
      %add3A_282 = arith.addf %add3A_279, %get3A_281 : vector<16xf32>
      %get3A_283 = arith.constant 144 : index
      %get3A_284 = tpu.vector_load %arg10[%get3A_283] {strides = array<i32>} : memref<256xf32, #tpu.memory_space<vmem>>, vector<16xf32>,
      %add3A_285 = arith.addf %add3A_282, %get3A_284 : vector<16xf32>
      %get3A_286 = arith.constant 160 : index
      %get3A_287 = tpu.vector_load %arg10[%get3A_286] {strides = array<i32>} : memref<256xf32, #tpu.memory_space<vmem>>, vector<16xf32>,
      %add3A_288 = arith.addf %add3A_285, %get3A_287 : vector<16xf32>
      %get3A_289 = arith.constant 176 : index
      %get3A_290 = tpu.vector_load %arg10[%get3A_289] {strides = array<i32>} : memref<256xf32, #tpu.memory_space<vmem>>, vector<16xf32>,
      %add3A_291 = arith.addf %add3A_288, %get3A_290 : vector<16xf32>
      %get3A_292 = arith.constant 192 : index
      %get3A_293 = tpu.vector_load %arg10[%get3A_292] {strides = array<i32>} : memref<256xf32, #tpu.memory_space<vmem>>, vector<16xf32>,
      %add3A_294 = arith.addf %add3A_291, %get3A_293 : vector<16xf32>
      %get3A_295 = arith.constant 208 : index
      %get3A_296 = tpu.vector_load %arg10[%get3A_295] {strides = array<i32>} : memref<256xf32, #tpu.memory_space<vmem>>, vector<16xf32>,
      %add3A_297 = arith.addf %add3A_294, %get3A_296 : vector<16xf32>
      %get3A_298 = arith.constant 224 : index
      %get3A_299 = tpu.vector_load %arg10[%get3A_298] {strides = array<i32>} : memref<256xf32, #tpu.memory_space<vmem>>, vector<16xf32>,
      %add3A_300 = arith.addf %add3A_297, %get3A_299 : vector<16xf32>
      %get3A_301 = arith.constant 240 : index
      %get3A_302 = tpu.vector_load %arg10[%get3A_301] {strides = array<i32>} : memref<256xf32, #tpu.memory_space<vmem>>, vector<16xf32>,
      %add3A_303 = arith.addf %add3A_300, %get3A_302 : vector<16xf32>
      %reduce_sum3A = arith.constant true
      %reduce_sum3A_304 = vector.broadcast %reduce_sum3A : i1 to vector<16xi1>
      %reduce_sum3A_305 = tpu.scan <sum>, %add3A_303 masked %reduce_sum3A_304 : vector<16xf32>, vector<16xi1> -> vector<16xf32>
      %reduce_sum3A_306 = vector.extract %reduce_sum3A_305[15] : f32 from vector<16xf32>
      %mul3A_307 = arith.constant 2.500000e-05 : f32
      %mul3A_308 = arith.mulf %reduce_sum3A_306, %mul3A_307 : f32
      %broadcast_in_dim3A_309 = arith.constant 0.000000e+00 : f32
      %broadcast_in_dim3A_310 = vector.broadcast %broadcast_in_dim3A_309 : f32 to vector<16xf32>
      %add3A_311 = vector.broadcast %mul3A_308 : f32 to vector<16xf32>
      %add3A_312 = arith.addf %broadcast_in_dim3A_310, %add3A_311 : vector<16xf32>
      %swap3A_313 = arith.constant 0 : index
      %swap3A_314 = tpu.vector_load %arg9[%swap3A_313] {strides = array<i32>} : memref<16xf32, #tpu.memory_space<vmem>>, vector<16xf32>,
      tpu.vector_store %arg9[%swap3A_313], %add3A_312 {strides = array<i32>} : memref<16xf32, #tpu.memory_space<vmem>>, vector<16xf32>,
      "tpu.region"() ({
        %run_scoped3A = tpu.sem_alloc : memref<!tpu.dma_semaphore, #tpu.memory_space<semaphore_mem>>
        tpu.enqueue_dma source(%arg9 : memref<16xf32, #tpu.memory_space<vmem>>) target(%arg5 : memref<16xf32, #tpu.memory_space<hbm>>) target_semaphore(%run_scoped3A : memref<!tpu.dma_semaphore, #tpu.memory_space<semaphore_mem>>)
        tpu.wait_dma2 semaphore(%run_scoped3A : memref<!tpu.dma_semaphore, #tpu.memory_space<semaphore_mem>>) src(%arg9 : memref<16xf32, #tpu.memory_space<vmem>>) dst(%arg5 : memref<16xf32, #tpu.memory_space<hbm>>)
        tpu.yield
      }) : () -> ()
    } else {
    }
    return
  }
}

</mosaic_0001>

<sc_bundles>
// kernel: kernel.3.cloned.1.call-start
scs
__scs_entry_jumppad:
0x0: {  	(pc) =	sbr.rel $0x88, $3  }
0x1: {  	(tag) =	ssettag $0x0;
	lr =	simm.s32 $0x1  }
0x2: {  	[smem:$0x3F9F] =	sst lr;
	_ =	strace $0xD0000000  }
0x3: {  	_ = 	snop  }
0x4: {  	_ = 	snop  }
0x5: {  	_ = 	snop  }
0x6: {  	_ = 	snop  }
0x7: {  	_ = 	snop  }
__scs_overlays_trampoline_lowered:
0x8: {  	[smem:$0x3FAE] =	sst s0  }
0x9: {  	[smem:$0x3FAF] =	sst s1  }
0xa: {  	[smem:$0x3FB0] =	sst s2  }
0xb: {  	[smem:$0x3FB1] =	sst s3  }
0xc: {  	[smem:$0x3FB2] =	sst s4  }
0xd: {  	[smem:$0x3FB3] =	sst s5  }
0xe: {  	[smem:$0x3FB4] =	sst s6  }
0xf: {  	[smem:$0x3FB5] =	sst s7  }
0x10: {  	[smem:$0x3FB6] =	sst s8  }
0x11: {  	[smem:$0x3FB7] =	sst s9;
	s0 =	simm.s32 @!p0 $0x0  }
0x12: {  	s1 =	sld [smem:$0x3F9D];
	s0 =	simm.s32 @p0 $0x1  }
0x13: {  	[smem:$0x3FB8] =	sst s0;
	s0 =	simm.s32 @!p1 $0x0  }
0x14: {  	s2 =	sld [smem:$0x3F9C];
	s0 =	simm.s32 @p1 $0x1  }
0x15: {  	[smem:$0x3FB9] =	sst s0;
	s0 =	simm.s32 @!p2 $0x0  }
0x16: {  	s3 =	sld [smem:$0x3FDB];
	s0 =	simm.s32 @p2 $0x1  }
0x17: {  	s4 =	simm.s32 $0x1BF5;
	[smem:$0x3FBB] =	sst s0  }
0x18: {  	s0 =	sld [smem:$0x3F9E];
	_ =	swait.ge [sflag:s4], $0x0  }
0x19: {  	s7 =	sld [smem:$0x3F9F]  }
0x1a: {  	s8 =	sadd.s32 $0xFFFFE003, lr  }
0x1b: {  	s9 =	sadd.s32 $0xFFFFFEF7, lr;
	s5 =	simm.s32 $0xFFFFFFFF;
	p2 =	slt.u32 s8, $0xFFFFF086  }
0x1c: {  	p1 =	slt.u32 s9, $0xF7A;
	s5 =	simm.s32 @!p2 $0x0  }
0x1d: {  	s5 =	simm.s32 @p1 $0x1;
	p0 =	seq.s32 s7, s2  }
0x1e: {  	s7 =	smul.u32 @!p0 $0xF7A, s2;
	p2 =	seq.s32 @!p0 s5, $0x0  }
0x1f: {  	s9 =	smul.u32 $0xF7A, s1;
	s8 =	simm.s32 @!p0 $0x1BF5;
	p2 =	por !p2, p0  }
0x20: {  	[sflag:s8] =	ssyncset.s32 @!p0 $0xFFFFF086;
	s6 =	sadd.s32 @!p0 s3, s7;
	s7 =	simm.s32 @!p0 $0x108  }
0x21: {  	s3 =	sadd.s32 s3, s9;
	s6 =	sadd.s32 @!p0 $0x88, s6;
	s7 =	simm.s32 @p2 $0x1082  }
0x22: {  	[simem:s7], [sflag:s8] =	dma.local @!p0 [hbm:s6], $0xF7A  }
0x23: {  	s9 =	sor.u32 $0xD0000000, s2;
	s6 =	simm.s32 $0x108;
	_ =	swait.ge @!p0 [sflag:s8], $0x0  }
0x24: {  	s3 =	sadd.s32 $0x88, s3;
	s6 =	simm.s32 @!p1 $0x1082;
	[sflag:s4] =	ssyncset.s32 $0xFFFFF086  }
0x25: {  	[simem:s6], [sflag:s4] =	dma.local [hbm:s3], $0xF7A  }
0x26: {  	[smem:$0x3F9F] =	sst s1;
	(tag) =	ssettag s2;
	_ =	strace s9  }
0x27: {  	s1 =	sld [smem:$0x3FAF]  }
0x28: {  	s2 =	sld [smem:$0x3FB0]  }
0x29: {  	s4 =	sld [smem:$0x3FB2]  }
0x2a: {  	p0 =	seq.s32 s5, $0x0;
	s5 =	sld [smem:$0x3FB3]  }
0x2b: {  	s6 =	sld [smem:$0x3FB4]  }
0x2c: {  	s7 =	sld [smem:$0x3FB5]  }
0x2d: {  	s3 =	simm.s32 $0x108;
	s8 =	sld [smem:$0x3FB6]  }
0x2e: {  	s3 =	simm.s32 @!p0 $0x1082;
	s9 =	sld [smem:$0x3FB7]  }
0x2f: {  	lr =	sadd.s32 s0, s3;
	s0 =	sld [smem:$0x3FAE]  }
0x30: {  	s3 =	sld [smem:$0x3FB1]  }
0x31: {  	[smem:$0x3FBA] =	sst s10  }
0x32: {  	s10 =	sld [smem:$0x3FB8];
	_ =	sdelay $0x3  }
0x33: {  	p0 =	seq.s32 s10, $0x1;
	s10 =	sld [smem:$0x3FBA];
	_ =	sdelay $0x3  }
0x34: {  	[smem:$0x3FBA] =	sst s10  }
0x35: {  	s10 =	sld [smem:$0x3FB9];
	_ =	sdelay $0x3  }
0x36: {  	p1 =	seq.s32 s10, $0x1;
	s10 =	sld [smem:$0x3FBA];
	_ =	sdelay $0x3  }
0x37: {  	[smem:$0x3FBA] =	sst s10  }
0x38: {  	s10 =	sld [smem:$0x3FBB]  }
0x39: {  	_ = 	snop;
	(pc) =	sbr.ind lr, $3  }
0x3a: {  	_ = 	snop  }
0x3b: {  	_ = 	snop  }
0x3c: {  	p2 =	seq.s32 s10, $0x1;
	s10 =	sld [smem:$0x3FBA]  }
0x3d: {  	_ =	shalt  }
0x3e: {  	_ =	shalt  }
0x3f: {  	_ =	shalt  }
0x40: {  	_ =	shalt  }
0x41: {  	_ =	shalt  }
0x42: {  	_ =	shalt  }
0x43: {  	_ =	shalt  }
0x44: {  	_ =	shalt  }
0x45: {  	_ =	shalt  }
0x46: {  	_ =	shalt  }
0x47: {  	_ =	shalt  }
0x48: {  	_ =	shalt  }
0x49: {  	_ =	shalt  }
0x4a: {  	_ =	shalt  }
0x4b: {  	_ =	shalt  }
0x4c: {  	_ =	shalt  }
0x4d: {  	_ =	shalt  }
0x4e: {  	_ =	shalt  }
0x4f: {  	_ =	shalt  }
0x50: {  	_ =	shalt  }
0x51: {  	_ =	shalt  }
0x52: {  	_ =	shalt  }
0x53: {  	_ =	shalt  }
0x54: {  	_ =	shalt  }
0x55: {  	_ =	shalt  }
0x56: {  	_ =	shalt  }
0x57: {  	_ =	shalt  }
0x58: {  	_ =	shalt  }
0x59: {  	_ =	shalt  }
0x5a: {  	_ =	shalt  }
0x5b: {  	_ =	shalt  }
0x5c: {  	_ =	shalt  }
0x5d: {  	_ =	shalt  }
0x5e: {  	_ =	shalt  }
0x5f: {  	_ =	shalt  }
0x60: {  	_ =	shalt  }
0x61: {  	_ =	shalt  }
0x62: {  	_ =	shalt  }
0x63: {  	_ =	shalt  }
0x64: {  	_ =	shalt  }
0x65: {  	_ =	shalt  }
0x66: {  	_ =	shalt  }
0x67: {  	_ =	shalt  }
0x68: {  	_ =	shalt  }
0x69: {  	_ =	shalt  }
0x6a: {  	_ =	shalt  }
0x6b: {  	_ =	shalt  }
0x6c: {  	_ =	shalt  }
0x6d: {  	_ =	shalt  }
0x6e: {  	_ =	shalt  }
0x6f: {  	_ =	shalt  }
0x70: {  	_ =	shalt  }
0x71: {  	_ =	shalt  }
0x72: {  	_ =	shalt  }
0x73: {  	_ =	shalt  }
0x74: {  	_ =	shalt  }
0x75: {  	_ =	shalt  }
0x76: {  	_ =	shalt  }
0x77: {  	_ =	shalt  }
0x78: {  	_ =	shalt  }
0x79: {  	_ =	shalt  }
0x7a: {  	_ =	shalt  }
0x7b: {  	_ =	shalt  }
0x7c: {  	_ =	shalt  }
0x7d: {  	_ =	shalt  }
0x7e: {  	_ =	shalt  }
0x7f: {  	_ =	shalt  }
0x80: {  	_ =	shalt  }
0x81: {  	_ =	shalt  }
0x82: {  	_ =	shalt  }
0x83: {  	_ =	shalt  }
0x84: {  	_ =	shalt  }
0x85: {  	_ =	shalt  }
0x86: {  	_ =	shalt  }
0x87: {  	_ =	shalt  }
.Lfunc_end0:
.L_simem_size_0:
called_computation_lowered:
.L_overlay_start_0:
0x88: {  	s0 =	sld [smem:$0x3FD9]  }
0x89: {  	s1 =	sld [smem:$0x3FFE];
	_ =	sdelay $0x3  }
0x8a: {  	s0 =	sadd.s32 s1, s0  }
0x8b: {  	[smem:$0x3FC6] =	sst s0  }
0x8c: {  	_ = 	snop  }
0x8d: {  	s0 =	sld [smem:$0x3FD0];
	(tm) =	ssettm $0x1  }
0x8e: {  	s16 =	sld [smem:$0x3FFB];
	_ =	sdelay $0x3  }
0x8f: {  	_ =	strace s16  }
0x90: {  	s1 =	sld [smem:$0x3FFC];
	_ =	sdelay $0x3  }
0x91: {  	_ =	strace s1  }
0x92: {  	s1 =	sld [smem:$0x3FFD];
	_ =	sdelay $0x3  }
0x93: {  	_ =	strace s1  }
0x94: {  	_ =	strace $0x8FFFFFFF  }
0x95: {  	s17 =	sld [smem:$0x3FDB];
	_ =	sdelay $0x1  }
0x96: {  	s2 =	simm.s32 $_scs_section_size  }
0x97: {  	s3 =	simm.s32 $_size__tile_overlayer_lowered;
	s4 =	simm.s32 $_tile_overlayer_lowered  }
0x98: {  	s20 =	simm.s32 $0x1BFF;
	s19 =	sshll.u32 s4, $0x1;
	s1 =	sadd.s32 s2, s17  }
0x99: {  	s5 =	simm.s32 $0x0;
	s18 =	sshll.u32 s3, $0x1;
	s3 =	sadd.s32 s19, s1  }
0x9a: {  	[timem:s5], [sflag:s20] =	dma.local [hbm:s3], s18  }
0x9b: {  	_ =	swait.ge [sflag:s20], s18  }
0x9c: {  	s2 =	ssub.s32 $0x0, s18;
	[sflag:s20] =	ssyncset.done $0x0  }
0x9d: {  	[sflag:s20] =	ssyncadd.s32 s2;
	_ =	sdelay $0x1  }
0x9e: {  	s21 =	simm.s32 $0x1B8B  }
0x9f: {  	_ =	swait.ge [sflag:s21], $0x1  }
0xa0: {  	[sflag:s21] =	ssyncset.done $0x0  }
0xa1: {  	s23 =	simm.s32 $0x1B8E;
	s22 =	sld [smem:$0x3FFE];
	[sflag:s21] =	ssyncadd.s32 $0xFFFFFFFF  }
0xa2: {  	s24 =	simm.s32 $execute0_lowered;
	[smem:$0x3FD2] =	sst s23  }
0xa3: {  	s3 =	sshll.u32 s24, $0x1;
	_ =	strace $0x80000046;
	[dreg:$0x1] =	wrdreg $0xFFFFFFFF  }
0xa4: {  	s25 =	simm.s32 $_size_execute0_lowered;
	s1 =	sadd.s32 s1, s3;
	[dreg:$0x0] =	wrdreg $0x0  }
0xa5: {  	s3 =	sshll.u32 s25, $0x1;
	[dreg:$0x2] =	wrdreg s1  }
0xa6: {  	[dreg:$0x3] =	wrdreg s3  }
0xa7: {  	[dreg:$0x4] =	wrdreg $0xC0  }
0xa8: {  	_ =	task [dreg:s5], $0x5FFFF  }
0xa9: {  	[dreg:$0x1] =	wrdreg $0xFFFFFFFF  }
0xaa: {  	[dreg:$0x0] =	wrdreg $0x60  }
0xab: {  	[dreg:$0x2] =	wrdreg s22  }
0xac: {  	[dreg:$0x3] =	wrdreg s0  }
0xad: {  	[dreg:$0x4] =	wrdreg $0x3D800  }
0xae: {  	[dreg:$0x5] =	wrdreg $0x9  }
0xaf: {  	_ =	task.clear_ibuf [dreg:s5], $0x6FFFF;
	_ =	strace $0x90000046  }
0xb0: {  	s26 =	simm.s32 $0x9;
	_ =	strace $0x80000048  }
0xb1: {  	_ =	swait.ge [sflag:s26], $0x1  }
0xb2: {  	[sflag:s26] =	ssyncadd.s32 $0xFFFFFFFF  }
0xb3: {  	_ =	strace $0x90000048  }
0xb4: {  	_ =	sfence  }
0xb5: {  	s28 =	sld [smem:$0x0];
	_ =	sdelay $0x1  }
0xb6: {  	s29 =	srdreg.scid  }
0xb7: {  	s30 =	sshll.u32 s29, $0xD;
	s31 =	sshrl.u32 s29, $0x2  }
0xb8: {  	s2 =	sand.u32 $0x4000, s30;
	s1 =	sand.u32 $0x1, s29;
	s0 =	sadd.s32 s31, s28  }
0xb9: {  	s1 =	sor.u32 s2, s1;
	s0 =	sshll.u32 s0, $0x11  }
0xba: {  	s0 =	sor.u32 s0, s1  }
0xbb: {  	s0 =	sadd.s32 $0x8F2B, s0  }
0xbc: {  	[sflag:s0] =	ssyncadd.remote.s32 $0x1  }
0xbd: {  	_ =	sfence.sel $0xFFFF  }
0xbe: {  	[dreg:$0x0] =	wrdreg $0xFFFFFFFF;
	(pc) =	sbr.abs _section_cstart, $3  }
0xbf: {  	[dreg:$0x1] =	wrdreg $0xFFFFFFFF  }
0xc0: {  	_ =	task.clear_ibuf [dreg:s5], $0x2FFFF;
	_ =	strace $0x9FFFFFFF  }
0xc1: {  	(tm) =	ssettm $0x7FFFFFFF  }
tec
execute0_lowered:
.L_overlay_start_1:
0x0: {  	(tag) =	ssettag $0x1  }
0x1: {  	s3 =	stileid.u32  }
0x2: {  	s0 =	sshrl.u32 s3, $0x3  }
0x3: {  	s4 =	rddreg [dreg:$0x0];
	s11 =	sshll.u32 s3, $0x7;
	s5 =	smul.u32 $0xA000, s0  }
0x4: {  	s1 =	rddreg [dreg:$0x1];
	s6 =	sand.u32 $0x380, s11  }
0x5: {  	s2 =	rddreg [dreg:$0x2];
	s7 =	simm.s32 $0x0;
	s5 =	sor.u32 s6, s5  }
0x6: {  	s12 =	simm.s32 $0x80;
	s8 =	simm.s32 $0x400;
	s5 =	sshrl.u32 s5, $0x3  }
0x7: {  	s13 =	simm.s32 $0x3;
	[smem:$0x7FF] =	sst s7;
	s5 =	sadd.s32 s5, s4  }
0x8: {  	s0 =	rddreg [dreg:$0x3];
	_ =	strace $0x80000047;
	s5 =	sadd.s32 $0x40800, s5  }
0x9: {  	[tilespmem:s7], [sflag:$0x3] =	stream.strided.gather [hbm4b:s5+s12], $0x1400, s8, s12, $0x38;
	[tilespmem:$0x3D90] =	vst v63  }
0xa: {  	_ =	swait.ge [sflag:s13], $0x1400  }
0xb: {  	s15 =	simm.s32 $0x4E0;
	[sflag:s13] =	ssyncset.done $0x0  }
0xc: {  	s16 =	simm.s32 $0x1400;
	s14 =	sadd.s32 $0x800, s4;
	[sflag:s13] =	ssyncadd.s32 $0xFFFFEC00  }
0xd: {  	[tilespmem:s16], [sflag:$0x1] =	stream.indirect.gather [hbm4b:s14+s15], $0x1, s7, s15, $0xb8;
	[tilespmem:$0x3D90] =	vst v63  }
0xe: {  	s17 =	simm.s32 $0x2800;
	s4 =	sadd.s32 $0x20800, s4  }
0xf: {  	[tilespmem:s17], [sflag:$0x1] =	stream.indirect.gather [hbm4b:s4+s15], $0x1, s7, s15, $0xb8;
	[tilespmem:$0x3D90] =	vst v63  }
0x10: {  	s18 =	simm.s32 $0x9D0;
	s19 =	simm.s32 $0x1DD0  }
0x11: {  	[tilespmem:s19], [sflag:$0x1] =	stream.indirect.gather [hbm4b:s14+s15], $0x1, s18, s15, $0xb8;
	[tilespmem:$0x3D90] =	vst v63  }
0x12: {  	s20 =	simm.s32 $0x31D0  }
0x13: {  	[tilespmem:s20], [sflag:$0x1] =	stream.indirect.gather [hbm4b:s4+s15], $0x1, s18, s15, $0xb8;
	[tilespmem:$0x3D90] =	vst v63  }
0x14: {  	s21 =	simm.s32 $0x4F0;
	s22 =	simm.s32 $0x18E0  }
0x15: {  	[tilespmem:s22], [sflag:$0x2] =	stream.indirect.gather [hbm4b:s14+s21], $0x1, s15, s21, $0xb8;
	[tilespmem:$0x3D90] =	vst v63  }
0x16: {  	s23 =	simm.s32 $0x2CE0  }
0x17: {  	[tilespmem:s23], [sflag:$0x2] =	stream.indirect.gather [hbm4b:s4+s21], $0x1, s15, s21, $0xb8;
	[tilespmem:$0x3D90] =	vst v63  }
0x18: {  	s24 =	simm.s32 $0xEB0;
	s25 =	simm.s32 $0x22B0  }
0x19: {  	[tilespmem:s25], [sflag:$0x2] =	stream.indirect.gather [hbm4b:s14+s21], $0x1, s24, s21, $0xb8;
	[tilespmem:$0x3D90] =	vst v63  }
0x1a: {  	s26 =	simm.s32 $0x36B0;
	s28 =	simm.s32 $0x1  }
0x1b: {  	[tilespmem:s26], [sflag:$0x2] =	stream.indirect.gather [hbm4b:s4+s21], $0x1, s24, s21, $0xb8;
	[tilespmem:$0x3D90] =	vst v63  }
0x1c: {  	_ =	swait.ge [sflag:s28], $0x4E0  }
0x1d: {  	[sflag:s28] =	ssyncset.done $0x0  }
0x1e: {  	[sflag:s28] =	ssyncadd.s32 $0xFFFFFB20  }
0x1f: {  	_ =	swait.ge [sflag:s28], $0x4E0  }
0x20: {  	[sflag:s28] =	ssyncset.done $0x0  }
0x21: {  	[sflag:s28] =	ssyncadd.s32 $0xFFFFFB20  }
0x22: {  	_ =	swait.ge [sflag:s28], $0x4E0  }
0x23: {  	[sflag:s28] =	ssyncset.done $0x0  }
0x24: {  	[sflag:s28] =	ssyncadd.s32 $0xFFFFFB20  }
0x25: {  	_ =	swait.ge [sflag:s28], $0x4E0  }
0x26: {  	[sflag:s28] =	ssyncset.done $0x0  }
0x27: {  	s29 =	simm.s32 $0x0;
	[sflag:s28] =	ssyncadd.s32 $0xFFFFFB20  }
0x28: {  	v1 =	vld [tilespmem:s29+$0x1400]  }
0x29: {  	v2 =	vld [tilespmem:s29+$0x1DD0]  }
0x2a: {  	v0 =	vld [tilespmem:s29+$0x31D0]  }
0x2b: {  	v3 =	vld [tilespmem:s29+$0x31E0]  }
0x2c: {  	v4 =	vld [tilespmem:s29+$0x1410]  }
0x2d: {  	v5 =	vld [tilespmem:s29+$0x1DE0]  }
0x2e: {  	v6 =	vld [tilespmem:s29+$0x2800]  }
0x2f: {  	v8 =	vld [tilespmem:s29+$0x2810];
	v7 =	vadd.f32 $9.999999930e-09, v0  }
0x30: {  	v3 =	vadd.f32 $9.999999930e-09, v3  }
0x31: {  	v1 =	vsub.f32 v1, v2;
	v9 =	vmul.f32 $1.029999970e+00, v7  }
0x32: {  	v0 =	vimm.f32 $0.0e+00;
	v7 =	vmul.f32 $9.708737730e-01, v7;
	v2 =	vmul.f32 $1.029999970e+00, v3  }
0x33: {  	v4 =	vsub.f32 v4, v5;
	v3 =	vmul.f32 $9.708737730e-01, v3;
	v5 =	vsub.f32 $0.0e+00, v1  }
0x34: {  	vm0 =	vlt.f32 v6, v9;
	vm1 =	vgt.f32 v6, v7;
	vm8 =	vlt.f32 v8, v2  }
0x35: {  	s30 =	simm.s32 $0x20;
	vm9 =	vgt.f32 v8, v3;
	v6 =	vsel vm0, $0x3F800000, v0;
	v7 =	vsel vm1, $0x3F800000, v0  }
0x36: {  	v13 =	vld [tilespmem:s30+$0x1410];
	v3 =	vsel vm8, $0x3F800000, v0;
	v8 =	vsel vm9, $0x3F800000, v0;
	v2 =	vsub.f32 v7, v6  }
0x37: {  	v14 =	vld [tilespmem:s30+$0x1DE0];
	v12 =	vsub.f32 $0.0e+00, v4;
	v11 =	vsub.f32 v8, v3  }
0x38: {  	v10 =	vld [tilespmem:s30+$0x1DD0];
	v2 =	vmul.f32 v2, v5  }
0x39: {  	v5 =	vld [tilespmem:s30+$0x31E0];
	v11 =	vmul.f32 v11, v12  }
0x3a: {  	v12 =	vld [tilespmem:s30+$0x31D0];
	v2 =	vmul.f32 $1.442695020e+00, v2  }
0x3b: {  	v9 =	vld [tilespmem:s30+$0x1400];
	v11 =	vmul.f32 $1.442695020e+00, v11  }
0x3c: {  	v13 =	vsub.f32 v13, v14;
	(erf) = vpow2.f32 v2  }
0x3d: {  	v4 =	vmul.f32 v4, v4;
	v2 =	vld [tilespmem:s30+$0x2810];
	(erf) = vpow2.f32 v11  }
0x3e: {  	v15 =	vld [tilespmem:s30+$0x2800];
	v18 =	vsub.f32 $0.0e+00, v13;
	v6 =	vmul.f32 v7, v6;
	v5 =	vadd.f32 $9.999999930e-09, v5  }
0x3f: {  	v3 =	vmul.f32 v8, v3;
	v11 =	vmul.f32 v1, v1;
	v1 =	vadd.f32 $9.999999930e-09, v12  }
0x40: {  	v9 =	vsub.f32 v9, v10;
	v10 =	vmul.f32 $1.029999970e+00, v5;
	v5 =	vmul.f32 $9.708737730e-01, v5  }
0x41: {  	v16 =	vsub.f32 $1.000000000e+00, v3;
	v12 =	vmul.f32 $1.029999970e+00, v1;
	v1 =	vmul.f32 $9.708737730e-01, v1  }
0x42: {  	v14 =	vsub.f32 $0.0e+00, v9;
	v22 =	vmul.f32 v6, v11;
	vm10 =	vlt.f32 v2, v10  }
0x43: {  	s31 =	simm.s32 $0x40;
	vm11 =	vlt.f32 v15, v12;
	vm2 =	vgt.f32 v15, v1;
	vm3 =	vgt.f32 v2, v5  }
0x44: {  	v17 =	vld [tilespmem:s31+$0x1DD0];
	v1 =	vsub.f32 $1.000000000e+00, v6;
	v7 =	vsel vm11, $0x3F800000, v0;
	v8 =	vsel vm2, $0x3F800000, v0  }
0x45: {  	v20 =	vld [tilespmem:s31+$0x31E0];
	v5 =	vsel vm10, $0x3F800000, v0;
	v12 =	vsel vm3, $0x3F800000, v0;
	v15 =	vsub.f32 v8, v7;
	v2 =	vpop (erf)  }
0x46: {  	v10 =	vld [tilespmem:s31+$0x1400];
	v2 =	vmul.f32 v2, v1;
	v1 =	vmul.f32 v9, v9;
	v9 =	vsub.f32 v12, v5;
	v19 =	vpop (erf)  }
0x47: {  	v11 =	vld [tilespmem:s31+$0x1DE0];
	v14 =	vmul.f32 v15, v14;
	v16 =	vmul.f32 v19, v16  }
0x48: {  	v15 =	vadd.f32 $1.000000000e+00, v2;
	v2 =	vmul.f32 v13, v13;
	v9 =	vmul.f32 v9, v18;
	v13 =	vld [tilespmem:s31+$0x31D0]  }
0x49: {  	v23 =	vmul.f32 v3, v4;
	v19 =	vimm.f32 $1.000000000e+00;
	v14 =	vmul.f32 $1.442695020e+00, v14;
	v18 =	vld [tilespmem:s31+$0x1410]  }
0x4a: {  	v16 =	vadd.f32 $1.000000000e+00, v16;
	v15 =	vmul.f32 v15, v19;
	v9 =	vmul.f32 $1.442695020e+00, v9  }
0x4b: {  	v4 =	vld [tilespmem:s31+$0x2800];
	(erf) = vpow2.f32 v14;
	v14 =	vsub.f32 v10, v17;
	v10 =	vadd.f32 $9.999999930e-09, v20  }
0x4c: {  	v19 =	vimm.s32 $0x0;
	v6 =	vmul.f32 v16, v15;
	v15 =	vld [tilespmem:s31+$0x2810];
	(erf) = vpow2.f32 v9  }
0x4d: {  	v16 =	vmul.f32 $9.708737730e-01, v10;
	v9 =	vadd.f32 $9.999999930e-09, v13;
	v13 =	vmul.f32 $1.029999970e+00, v10  }
0x4e: {  	v20 =	vsub.f32 v18, v11;
	v10 =	vmul.f32 v8, v7;
	v18 =	vsub.f32 $0.0e+00, v14  }
0x4f: {  	v11 =	vmul.f32 v12, v5;
	v3 =	vshrl.u32 v6, $0x17;
	v6 =	vand.u32 $0x7FFFFF, v6  }
0x50: {  	v3 =	vadd.s32 v3, v19;
	v17 =	vmul.f32 $1.029999970e+00, v9;
	v9 =	vmul.f32 $9.708737730e-01, v9  }
0x51: {  	v6 =	vor.u32 $0x3F800000, v6;
	v24 =	vsub.f32 $0.0e+00, v20;
	v3 =	vadd.s32 $0xFFFFFF81, v3  }
0x52: {  	vm12 =	vlt.f32 v15, v13;
	vm13 =	vlt.f32 v4, v17;
	vm14 =	vgt.f32 v4, v9  }
0x53: {  	v9 =	vsub.f32 $1.000000000e+00, v10;
	v7 =	vsel vm13, $0x3F800000, v0;
	v8 =	vsel vm14, $0x3F800000, v0  }
0x54: {  	s5 =	simm.s32 $0x60;
	vm15 =	vgt.f32 v15, v16;
	v16 =	vsub.f32 $1.000000000e+00, v11;
	v12 =	vpop (erf);
	v13 =	vsub.f32 v8, v7  }
0x55: {  	v17 =	vld [tilespmem:s5+$0x1400];
	v4 =	vsel vm12, $0x3F800000, v0;
	v5 =	vsel vm15, $0x3F800000, v0;
	v9 =	vmul.f32 v12, v9  }
0x56: {  	v12 =	vmul.f32 v14, v14;
	v14 =	vsub.f32 v5, v4;
	v21 =	vpop (erf);
	v19 =	vmul.f32 v13, v18;
	v18 =	vld [tilespmem:s5+$0x1DD0]  }
0x57: {  	v15 =	vadd.f32 $1.000000000e+00, v9;
	v13 =	vmul.f32 v20, v20;
	v16 =	vmul.f32 v21, v16;
	v21 =	vld [tilespmem:s5+$0x31E0]  }
0x58: {  	s4 =	simm.s32 $0x200;
	v20 =	vmul.f32 v14, v24;
	v14 =	vadd.f32 v23, v22;
	v9 =	vimm.f32 $0.0e+00  }
.LBB2_1:
0x59: {  	p0 =	sne.s32 s4, $0x1300;
	v22 =	vld [tilespmem:s5+$0x31D0];
	v19 =	vmul.f32 $1.442695020e+00, v19;
	v16 =	vadd.f32 $1.000000000e+00, v16;
	v6 =	vmul.f32 v15, v6  }
0x5a: {  	v23 =	vmul.f32 v10, v1;
	v1 =	vmovc v12;
	v15 =	vld [tilespmem:s5+$0x1410];
	v20 =	vmul.f32 $1.442695020e+00, v20;
	v9 =	vadd.f32 v14, v9  }
0x5b: {  	v10 =	vld [tilespmem:s5+$0x1DE0];
	(erf) = vpow2.f32 v19;
	v6 =	vmul.f32 v16, v6  }
0x5c: {  	v24 =	vmul.f32 v11, v2;
	v2 =	vmovc v13;
	v12 =	vsub.f32 v17, v18;
	v14 =	vld [tilespmem:s5+$0x2810];
	v16 =	vadd.f32 $9.999999930e-09, v21  }
0x5d: {  	v11 =	vld [tilespmem:s5+$0x2800];
	(erf) = vpow2.f32 v20;
	v13 =	vshrl.u32 v6, $0x17;
	v6 =	vand.u32 $0x7FFFFF, v6  }
0x5e: {  	v17 =	vadd.f32 $9.999999930e-09, v22;
	v3 =	vadd.s32 v13, v3;
	v6 =	vor.u32 $0x3F800000, v6  }
0x5f: {  	v13 =	vmul.f32 $1.029999970e+00, v16;
	v16 =	vmul.f32 $9.708737730e-01, v16;
	v3 =	vadd.s32 $0xFFFFFF81, v3  }
0x60: {  	v18 =	vmul.f32 $1.029999970e+00, v17;
	v17 =	vmul.f32 $9.708737730e-01, v17;
	v20 =	vsub.f32 v15, v10  }
0x61: {  	v15 =	vsub.f32 $0.0e+00, v12;
	v10 =	vmul.f32 v8, v7;
	vm0 =	vlt.f32 v14, v13  }
0x62: {  	vm3 =	vgt.f32 v14, v16;
	vm1 =	vlt.f32 v11, v18;
	vm2 =	vgt.f32 v11, v17  }
0x63: {  	v13 =	vsub.f32 $1.000000000e+00, v10;
	v11 =	vmul.f32 v5, v4;
	v4 =	vsel vm0, $0x3F800000, v0  }
.Ltmp0:
0x64: {  	s5 =	sshra.s32 s4, $0x2;
	v5 =	vsel vm3, $0x3F800000, v0;
	v7 =	vsel vm1, $0x3F800000, v0;
	v8 =	vsel vm2, $0x3F800000, v0;
	v14 =	vpop (erf);
	(pc) =	sbr.rel @p0 .LBB2_1-.Ltmp0, $4  }
0x65: {  	v16 =	vsub.f32 v8, v7;
	v17 =	vld [tilespmem:s5+$0x1400];
	v13 =	vmul.f32 v14, v13;
	v14 =	vsub.f32 $1.000000000e+00, v11  }
0x66: {  	v12 =	vmul.f32 v12, v12;
	v25 =	vsub.f32 $0.0e+00, v20;
	v22 =	vsub.f32 v5, v4;
	v18 =	vld [tilespmem:s5+$0x1DD0];
	v26 =	vpop (erf)  }
0x67: {  	v19 =	vmul.f32 v16, v15;
	v21 =	vld [tilespmem:s5+$0x31E0];
	v15 =	vadd.f32 $1.000000000e+00, v13;
	v16 =	vmul.f32 v26, v14  }
0x68: {  	s4 =	sadd.s32 $0x80, s4;
	v13 =	vmul.f32 v20, v20;
	v20 =	vmul.f32 v22, v25;
	v14 =	vadd.f32 v24, v23  }
0x69: {  	v22 =	vld [tilespmem:s5+$0x31D0]  }
0x6a: {  	v23 =	vld [tilespmem:s5+$0x1410]  }
0x6b: {  	v24 =	vld [tilespmem:s5+$0x1DE0]  }
0x6c: {  	v25 =	vld [tilespmem:s5+$0x2810]  }
0x6d: {  	v26 =	vld [tilespmem:s5+$0x2800];
	v21 =	vadd.f32 $9.999999930e-09, v21  }
0x6e: {  	v22 =	vadd.f32 $9.999999930e-09, v22  }
0x6f: {  	v17 =	vsub.f32 v17, v18;
	v18 =	vmul.f32 $1.029999970e+00, v21  }
0x70: {  	v27 =	vmul.f32 $1.029999970e+00, v22;
	v22 =	vmul.f32 $9.708737730e-01, v22  }
0x71: {  	v52 =	vsub.f32 $0.0e+00, v17;
	v21 =	vmul.f32 $9.708737730e-01, v21;
	v23 =	vsub.f32 v23, v24  }
0x72: {  	vm0 =	vlt.f32 v25, v18;
	vm1 =	vlt.f32 v26, v27;
	vm2 =	vgt.f32 v26, v22  }
0x73: {  	vm3 =	vgt.f32 v25, v21;
	v18 =	vsel vm1, $0x3F800000, v0;
	v21 =	vsel vm2, $0x3F800000, v0  }
0x74: {  	v22 =	vsel vm0, $0x3F800000, v0;
	v0 =	vsel vm3, $0x3F800000, v0;
	v53 =	vsub.f32 v21, v18  }
0x75: {  	v55 =	vsub.f32 $0.0e+00, v23;
	v54 =	vsub.f32 v0, v22  }
0x76: {  	v19 =	vmul.f32 $1.442695020e+00, v19;
	v24 =	vmul.f32 v53, v52  }
0x77: {  	v20 =	vmul.f32 $1.442695020e+00, v20;
	v56 =	vmul.f32 v54, v55  }
0x78: {  	(erf) = vpow2.f32 v19;
	v19 =	vmul.f32 $1.442695020e+00, v24  }
0x79: {  	(erf) = vpow2.f32 v20;
	v20 =	vmul.f32 $1.442695020e+00, v56  }
0x7a: {  	(erf) = vpow2.f32 v19  }
0x7b: {  	(erf) = vpow2.f32 v20;
	_ =	sdelay $0x5  }
0x7c: {  	v19 =	vpop (erf)  }
0x7d: {  	v20 =	vpop (erf)  }
0x7e: {  	v57 =	vpop (erf)  }
0x7f: {  	s4 =	simm.s32 $0x2;
	v58 =	vpop (erf)  }
0x80: {  	_ =	swait.ge [sflag:s4], $0x4F0  }
0x81: {  	[sflag:s4] =	ssyncset.done $0x0  }
0x82: {  	[sflag:s4] =	ssyncadd.s32 $0xFFFFFB10  }
0x83: {  	_ =	swait.ge [sflag:s4], $0x4F0  }
0x84: {  	v16 =	vadd.f32 $1.000000000e+00, v16;
	v6 =	vmul.f32 v15, v6;
	v7 =	vmul.f32 v8, v7;
	[sflag:s4] =	ssyncset.done $0x0  }
0x85: {  	[sflag:s4] =	ssyncadd.s32 $0xFFFFFB10  }
0x86: {  	v4 =	vmul.f32 v5, v4;
	v6 =	vmul.f32 v16, v6;
	v8 =	vsub.f32 $1.000000000e+00, v7;
	_ =	swait.ge [sflag:s4], $0x4F0  }
0x87: {  	v1 =	vmul.f32 v10, v1;
	v5 =	vadd.f32 v14, v9;
	[sflag:s4] =	ssyncset.done $0x0  }
0x88: {  	v10 =	vsub.f32 $1.000000000e+00, v4;
	v9 =	vshrl.u32 v6, $0x17;
	v8 =	vmul.f32 v19, v8;
	[sflag:s4] =	ssyncadd.s32 $0xFFFFFB10  }
0x89: {  	v2 =	vmul.f32 v11, v2;
	v6 =	vand.u32 $0x7FFFFF, v6;
	v3 =	vadd.s32 v9, v3;
	_ =	swait.ge [sflag:s4], $0x4F0  }
0x8a: {  	v14 =	vmul.f32 v21, v18;
	v10 =	vmul.f32 v20, v10;
	v8 =	vadd.f32 $1.000000000e+00, v8;
	[sflag:s4] =	ssyncset.done $0x0  }
0x8b: {  	s29 =	simm.s32 $0x0;
	v9 =	vmul.f32 v17, v17;
	v6 =	vor.u32 $0x3F800000, v6;
	v17 =	vmul.f32 v0, v22;
	[sflag:s4] =	ssyncadd.s32 $0xFFFFFB10  }
0x8c: {  	v10 =	vadd.f32 $1.000000000e+00, v10;
	v6 =	vmul.f32 v8, v6;
	v8 =	vsub.f32 $1.000000000e+00, v14;
	v11 =	vld [tilespmem:s29+$0x18E0]  }
0x8d: {  	v1 =	vadd.f32 v2, v1;
	v2 =	vmul.f32 v7, v12;
	v4 =	vmul.f32 v4, v13;
	v15 =	vld [tilespmem:s29+$0x22B0]  }
0x8e: {  	v7 =	vsub.f32 $1.000000000e+00, v17;
	v6 =	vmul.f32 v10, v6;
	v8 =	vmul.f32 v57, v8;
	v0 =	vld [tilespmem:s29+$0x36B0]  }
0x8f: {  	v1 =	vadd.f32 v1, v5;
	v2 =	vadd.f32 v4, v2;
	v3 =	vadd.s32 $0xFFFFFF81, v3;
	v18 =	vld [tilespmem:s29+$0x36C0]  }
0x90: {  	v5 =	vmul.f32 v58, v7;
	v13 =	vand.u32 $0x7FFFFF, v6;
	v8 =	vadd.f32 $1.000000000e+00, v8;
	v12 =	vld [tilespmem:s29+$0x18F0]  }
0x91: {  	v16 =	vmul.f32 v23, v23;
	v9 =	vmul.f32 v14, v9;
	v13 =	vor.u32 $0x3F800000, v13;
	v10 =	vld [tilespmem:s29+$0x22C0]  }
0x92: {  	v6 =	vshrl.u32 v6, $0x17;
	v5 =	vadd.f32 $1.000000000e+00, v5;
	v8 =	vmul.f32 v8, v13;
	v7 =	vld [tilespmem:s29+$0x2CE0]  }
0x93: {  	v14 =	vadd.f32 v2, v1;
	v3 =	vadd.s32 v6, v3;
	v19 =	vadd.f32 $9.999999930e-09, v0  }
0x94: {  	v3 =	vadd.s32 $0xFFFFFF81, v3;
	v4 =	vmul.f32 v5, v8;
	v20 =	vld [tilespmem:s29+$0x2CF0];
	v18 =	vadd.f32 $9.999999930e-09, v18  }
0x95: {  	v0 =	vimm.f32 $0.0e+00;
	v21 =	vmul.f32 $1.029999970e+00, v19;
	v19 =	vmul.f32 $9.708737730e-01, v19  }
0x96: {  	v11 =	vsub.f32 v11, v15;
	v10 =	vsub.f32 v12, v10;
	v15 =	vmul.f32 $1.029999970e+00, v18  }
0x97: {  	v18 =	vmul.f32 $9.708737730e-01, v18;
	vm4 =	vlt.f32 v7, v21;
	vm5 =	vgt.f32 v7, v19  }
0x98: {  	s30 =	simm.s32 $0x20;
	v7 =	vsub.f32 $0.0e+00, v11;
	v12 =	vsel vm4, $0x3F800000, v0;
	v19 =	vsel vm5, $0x3F800000, v0  }
0x99: {  	v5 =	vld [tilespmem:s30+$0x36C0];
	vm6 =	vlt.f32 v20, v15;
	vm7 =	vgt.f32 v20, v18;
	v15 =	vsub.f32 v19, v12  }
0x9a: {  	v2 =	vshrl.u32 v4, $0x17;
	v8 =	vld [tilespmem:s30+$0x36B0];
	v13 =	vsel vm6, $0x3F800000, v0;
	v18 =	vsel vm7, $0x3F800000, v0  }
0x9b: {  	v1 =	vld [tilespmem:s30+$0x18F0];
	v23 =	vsub.f32 $0.0e+00, v10;
	v22 =	vsub.f32 v18, v13;
	v7 =	vmul.f32 v15, v7  }
0x9c: {  	v3 =	vadd.s32 v2, v3;
	v2 =	vld [tilespmem:s30+$0x2CF0]  }
0x9d: {  	v20 =	vld [tilespmem:s30+$0x18E0];
	v6 =	vmul.f32 v22, v23;
	v7 =	vmul.f32 $1.442695020e+00, v7  }
0x9e: {  	v10 =	vmul.f32 v10, v10;
	v21 =	vld [tilespmem:s30+$0x22B0]  }
0x9f: {  	v5 =	vadd.f32 $9.999999930e-09, v5;
	v15 =	vld [tilespmem:s30+$0x22C0];
	v6 =	vmul.f32 $1.442695020e+00, v6;
	(erf) = vpow2.f32 v7  }
0xa0: {  	v4 =	vand.u32 $0x7FFFFF, v4;
	v12 =	vmul.f32 v19, v12;
	v7 =	vmul.f32 v17, v16;
	v16 =	vld [tilespmem:s30+$0x2CE0]  }
0xa1: {  	v8 =	vadd.f32 $9.999999930e-09, v8;
	v17 =	vmul.f32 $1.029999970e+00, v5;
	(erf) = vpow2.f32 v6  }
0xa2: {  	v4 =	vor.u32 $0x3F800000, v4;
	v5 =	vmul.f32 $9.708737730e-01, v5;
	v6 =	vmul.f32 v11, v11  }
0xa3: {  	v11 =	vsub.f32 v20, v21;
	v20 =	vmul.f32 $1.029999970e+00, v8;
	v8 =	vmul.f32 $9.708737730e-01, v8  }
0xa4: {  	v15 =	vsub.f32 v1, v15;
	v1 =	vsub.f32 $1.000000000e+00, v12;
	vm8 =	vlt.f32 v2, v17  }
0xa5: {  	vm11 =	vgt.f32 v2, v5;
	vm9 =	vlt.f32 v16, v20;
	vm10 =	vgt.f32 v16, v8  }
0xa6: {  	v8 =	vmul.f32 v18, v13;
	v13 =	vsel vm9, $0x3F800000, v0;
	v16 =	vsel vm10, $0x3F800000, v0  }
0xa7: {  	v21 =	vsub.f32 $0.0e+00, v11;
	v5 =	vsel vm8, $0x3F800000, v0;
	v19 =	vsub.f32 v16, v13  }
0xa8: {  	s31 =	simm.s32 $0x40;
	v17 =	vsel vm11, $0x3F800000, v0;
	v23 =	vsub.f32 $0.0e+00, v15;
	v12 =	vmul.f32 v12, v6;
	v2 =	vpop (erf)  }
0xa9: {  	v60 =	vld [tilespmem:s31+$0x36C0];
	v20 =	vsub.f32 $1.000000000e+00, v8;
	v19 =	vmul.f32 v19, v21;
	v2 =	vmul.f32 v2, v1  }
0xaa: {  	v22 =	vld [tilespmem:s31+$0x22B0];
	v1 =	vmul.f32 v11, v11;
	v11 =	vsub.f32 v17, v5;
	v59 =	vpop (erf);
	v5 =	vmul.f32 v17, v5  }
0xab: {  	v18 =	vld [tilespmem:s31+$0x18E0];
	v20 =	vmul.f32 v59, v20;
	v21 =	vadd.f32 $1.000000000e+00, v2;
	v2 =	vmul.f32 v15, v15  }
0xac: {  	v7 =	vadd.f32 v7, v9;
	v6 =	vld [tilespmem:s31+$0x22C0];
	v9 =	vmul.f32 v11, v23;
	v15 =	vmul.f32 $1.442695020e+00, v19  }
0xad: {  	v11 =	vld [tilespmem:s31+$0x36B0];
	v23 =	vsub.f32 $1.000000000e+00, v5;
	v19 =	vadd.f32 $1.000000000e+00, v20;
	v4 =	vmul.f32 v21, v4  }
0xae: {  	v20 =	vadd.s32 $0xFFFFFF81, v3;
	v21 =	vld [tilespmem:s31+$0x18F0];
	v9 =	vmul.f32 $1.442695020e+00, v9;
	(erf) = vpow2.f32 v15  }
0xaf: {  	v3 =	vadd.f32 v7, v14;
	v15 =	vadd.f32 $9.999999930e-09, v60;
	v4 =	vmul.f32 v19, v4  }
0xb0: {  	v7 =	vsub.f32 v18, v22;
	v14 =	vld [tilespmem:s31+$0x2CF0];
	v22 =	vmul.f32 v8, v10;
	(erf) = vpow2.f32 v9  }
0xb1: {  	v8 =	vld [tilespmem:s31+$0x2CE0];
	v18 =	vmul.f32 $1.029999970e+00, v15;
	v15 =	vmul.f32 $9.708737730e-01, v15;
	v9 =	vshrl.u32 v4, $0x17  }
0xb2: {  	v10 =	vadd.f32 $9.999999930e-09, v11;
	v4 =	vand.u32 $0x7FFFFF, v4;
	v11 =	vadd.s32 v9, v20  }
0xb3: {  	v9 =	vor.u32 $0x3F800000, v4;
	v21 =	vsub.f32 v21, v6;
	v6 =	vmul.f32 v16, v13  }
0xb4: {  	v4 =	vadd.s32 $0xFFFFFF81, v11;
	v11 =	vmul.f32 $1.029999970e+00, v10;
	v10 =	vmul.f32 $9.708737730e-01, v10  }
0xb5: {  	v19 =	vsub.f32 $0.0e+00, v7;
	vm12 =	vlt.f32 v14, v18;
	vm15 =	vgt.f32 v14, v15  }
0xb6: {  	vm13 =	vlt.f32 v8, v11;
	vm14 =	vgt.f32 v8, v10;
	v8 =	vsub.f32 $1.000000000e+00, v6  }
0xb7: {  	s5 =	simm.s32 $0x60;
	v10 =	vsel vm12, $0x3F800000, v0;
	v13 =	vsel vm13, $0x3F800000, v0;
	v14 =	vsel vm14, $0x3F800000, v0;
	v15 =	vpop (erf)  }
0xb8: {  	v17 =	vld [tilespmem:s5+$0x18E0];
	v11 =	vsel vm15, $0x3F800000, v0;
	v16 =	vsub.f32 v14, v13;
	v8 =	vmul.f32 v15, v8  }
0xb9: {  	v7 =	vmul.f32 v7, v7;
	v18 =	vld [tilespmem:s5+$0x22B0];
	v62 =	vsub.f32 $0.0e+00, v21;
	v61 =	vsub.f32 v11, v10;
	v63 =	vpop (erf)  }
0xba: {  	v20 =	vmul.f32 v16, v19;
	v15 =	vadd.f32 $1.000000000e+00, v8;
	v16 =	vmul.f32 v63, v23;
	v19 =	vld [tilespmem:s5+$0x36C0]  }
0xbb: {  	s4 =	simm.s32 $0x200;
	v12 =	vadd.f32 v22, v12;
	v8 =	vmul.f32 v21, v21;
	v21 =	vmul.f32 v61, v62  }
.LBB2_3:
0xbc: {  	p0 =	sne.s32 s4, $0x1300;
	v22 =	vld [tilespmem:s5+$0x36B0];
	v20 =	vmul.f32 $1.442695020e+00, v20;
	v16 =	vadd.f32 $1.000000000e+00, v16;
	v9 =	vmul.f32 v15, v9  }
0xbd: {  	v23 =	vmul.f32 v6, v1;
	v1 =	vmovc v7;
	v15 =	vld [tilespmem:s5+$0x18F0];
	v21 =	vmul.f32 $1.442695020e+00, v21;
	v3 =	vadd.f32 v12, v3  }
0xbe: {  	v6 =	vld [tilespmem:s5+$0x22C0];
	(erf) = vpow2.f32 v20;
	v7 =	vmul.f32 v16, v9  }
0xbf: {  	v24 =	vmul.f32 v5, v2;
	v2 =	vmovc v8;
	v12 =	vsub.f32 v17, v18;
	v16 =	vld [tilespmem:s5+$0x2CF0];
	v17 =	vadd.f32 $9.999999930e-09, v19  }
0xc0: {  	v5 =	vld [tilespmem:s5+$0x2CE0];
	(erf) = vpow2.f32 v21;
	v8 =	vshrl.u32 v7, $0x17;
	v7 =	vand.u32 $0x7FFFFF, v7  }
0xc1: {  	v18 =	vadd.f32 $9.999999930e-09, v22;
	v4 =	vadd.s32 v8, v4;
	v9 =	vor.u32 $0x3F800000, v7  }
0xc2: {  	v7 =	vmul.f32 $1.029999970e+00, v17;
	v8 =	vmul.f32 $9.708737730e-01, v17;
	v4 =	vadd.s32 $0xFFFFFF81, v4  }
0xc3: {  	v17 =	vmul.f32 $1.029999970e+00, v18;
	v18 =	vmul.f32 $9.708737730e-01, v18;
	v21 =	vsub.f32 v15, v6  }
0xc4: {  	v15 =	vsub.f32 $0.0e+00, v12;
	v6 =	vmul.f32 v14, v13;
	vm0 =	vlt.f32 v16, v7  }
0xc5: {  	vm3 =	vgt.f32 v16, v8;
	vm1 =	vlt.f32 v5, v17;
	vm2 =	vgt.f32 v5, v18  }
0xc6: {  	v7 =	vsub.f32 $1.000000000e+00, v6;
	v5 =	vmul.f32 v11, v10;
	v10 =	vsel vm0, $0x3F800000, v0  }
.Ltmp1:
0xc7: {  	s5 =	sshra.s32 s4, $0x2;
	v11 =	vsel vm3, $0x3F800000, v0;
	v13 =	vsel vm1, $0x3F800000, v0;
	v14 =	vsel vm2, $0x3F800000, v0;
	v8 =	vpop (erf);
	(pc) =	sbr.rel @p0 .LBB2_3-.Ltmp1, $4  }
0xc8: {  	v16 =	vsub.f32 v14, v13;
	v22 =	vsub.f32 $1.000000000e+00, v5;
	v17 =	vld [tilespmem:s5+$0x18E0];
	v8 =	vmul.f32 v8, v7  }
0xc9: {  	v25 =	vsub.f32 $0.0e+00, v21;
	v7 =	vmul.f32 v12, v12;
	v12 =	vsub.f32 v11, v10;
	v18 =	vld [tilespmem:s5+$0x22B0];
	v26 =	vpop (erf)  }
0xca: {  	v20 =	vmul.f32 v16, v15;
	v19 =	vld [tilespmem:s5+$0x36C0];
	v15 =	vadd.f32 $1.000000000e+00, v8;
	v16 =	vmul.f32 v26, v22  }
0xcb: {  	s4 =	sadd.s32 $0x80, s4;
	v8 =	vmul.f32 v21, v21;
	v21 =	vmul.f32 v12, v25;
	v12 =	vadd.f32 v24, v23  }
0xcc: {  	v22 =	vld [tilespmem:s5+$0x36B0]  }
0xcd: {  	v23 =	vld [tilespmem:s5+$0x18F0]  }
0xce: {  	v24 =	vld [tilespmem:s5+$0x22C0]  }
0xcf: {  	v20 =	vmul.f32 $1.442695020e+00, v20;
	v26 =	vld [tilespmem:s5+$0x2CE0]  }
0xd0: {  	v45 =	vld [tilespmem:$0x3B90];
	v13 =	vmul.f32 v14, v13;
	v21 =	vmul.f32 $1.442695020e+00, v21  }
0xd1: {  	v25 =	vld [tilespmem:s5+$0x2CF0];
	(erf) = vpow2.f32 v20;
	v17 =	vsub.f32 v17, v18;
	v42 =	vadd.f32 $9.999999930e-09, v22  }
0xd2: {  	v10 =	vmul.f32 v11, v10;
	v19 =	vadd.f32 $9.999999930e-09, v19;
	(erf) = vpow2.f32 v21  }
0xd3: {  	v47 =	vld [tilespmem:$0x1DC0];
	v46 =	vsub.f32 $0.0e+00, v17;
	v44 =	vmul.f32 $1.029999970e+00, v42;
	v20 =	vmul.f32 $9.708737730e-01, v42  }
0xd4: {  	v49 =	vld [tilespmem:$0x2790];
	v43 =	vmul.f32 $1.029999970e+00, v19;
	v19 =	vmul.f32 $9.708737730e-01, v19;
	v23 =	vsub.f32 v23, v24  }
0xd5: {  	v52 =	vld [tilespmem:$0x31C0];
	v54 =	vadd.f32 $9.999999930e-09, v45;
	vm1 =	vlt.f32 v26, v44;
	vm2 =	vgt.f32 v26, v20  }
0xd6: {  	vm0 =	vlt.f32 v25, v43;
	v48 =	vsel vm1, $0x3F800000, v0;
	v20 =	vsel vm2, $0x3F800000, v0  }
0xd7: {  	vm12 =	vgt.f32 v25, v19;
	v27 =	vsub.f32 $0.0e+00, v23;
	v51 =	vsub.f32 v20, v48  }
0xd8: {  	v56 =	vmul.f32 $1.029999970e+00, v54;
	v50 =	vsel vm0, $0x3F800000, v0;
	v53 =	vsel vm12, $0x3F800000, v0  }
0xd9: {  	v11 =	vmul.f32 $9.708737730e-01, v54;
	v55 =	vsub.f32 v53, v50;
	v24 =	vmul.f32 v51, v46  }
0xda: {  	v57 =	vimm.f32 $0.0e+00;
	v18 =	vsub.f32 v47, v49;
	vm13 =	vlt.f32 v52, v56  }
0xdb: {  	vm14 =	vgt.f32 v52, v11;
	v22 =	vmul.f32 v55, v27;
	v24 =	vmul.f32 $1.442695020e+00, v24  }
0xdc: {  	v61 =	vsub.f32 $0.0e+00, v18;
	v58 =	vsel vm13, $0x3F800000, v57;
	v59 =	vsel vm14, $0x3F800000, v57  }
0xdd: {  	v60 =	vsub.f32 v59, v58;
	v22 =	vmul.f32 $1.442695020e+00, v22;
	(erf) = vpow2.f32 v24  }
0xde: {  	v16 =	vadd.f32 $1.000000000e+00, v16;
	v9 =	vmul.f32 v15, v9  }
0xdf: {  	v62 =	vsub.f32 $1.000000000e+00, v13;
	v63 =	vpop (erf);
	v30 =	vmul.f32 v60, v61;
	(erf) = vpow2.f32 v22  }
0xe0: {  	v9 =	vmul.f32 v16, v9  }
0xe1: {  	v31 =	vsub.f32 $1.000000000e+00, v10;
	v15 =	vmul.f32 v63, v62;
	v22 =	vmul.f32 $1.442695020e+00, v30  }
0xe2: {  	v33 =	vand.u32 $0x7FFFFF, v9;
	v14 =	vmul.f32 v20, v48;
	v32 =	vpop (erf)  }
0xe3: {  	v16 =	vmul.f32 v32, v31;
	v15 =	vadd.f32 $1.000000000e+00, v15;
	(erf) = vpow2.f32 v22  }
0xe4: {  	v0 =	vmul.f32 v53, v50;
	v20 =	vor.u32 $0x3F800000, v33  }
0xe5: {  	v34 =	vsub.f32 $1.000000000e+00, v14;
	v16 =	vadd.f32 $1.000000000e+00, v16;
	v15 =	vmul.f32 v15, v20  }
0xe6: {  	v11 =	vmul.f32 v59, v58;
	v35 =	vpop (erf)  }
0xe7: {  	v19 =	vsub.f32 $1.000000000e+00, v0;
	v15 =	vmul.f32 v16, v15;
	v36 =	vmul.f32 v35, v34  }
0xe8: {  	vm15 =	vcmask $0xF00;
	v39 =	vsub.f32 $1.000000000e+00, v11;
	v38 =	vpop (erf)  }
0xe9: {  	v37 =	vand.u32 $0x7FFFFF, v15;
	v19 =	vmul.f32 v38, v19;
	v16 =	vadd.f32 $1.000000000e+00, v36  }
0xea: {  	v21 =	vsel vm15, $0x3F800000, v57;
	v20 =	vor.u32 $0x3F800000, v37  }
0xeb: {  	v40 =	vmul.f32 v21, v39;
	v19 =	vadd.f32 $1.000000000e+00, v19;
	v16 =	vmul.f32 v16, v20  }
0xec: {  	v41 =	vpop (erf)  }
0xed: {  	v42 =	vmul.f32 v41, v40;
	v16 =	vmul.f32 v19, v16;
	_ =	sdelay $0x1  }
0xee: {  	v19 =	vadd.f32 $1.000000000e+00, v42;
	v43 =	vand.u32 $0x7FFFFF, v16  }
0xef: {  	v20 =	vor.u32 $0x3F800000, v43  }
0xf0: {  	v19 =	vmul.f32 v20, v19;
	_ =	sdelay $0x1  }
0xf1: {  	v20 =	vand.u32 $0x7FFFFF, v19  }
0xf2: {  	v20 =	vor.u32 $0x3F800000, v20  }
0xf3: {  	v20 =	vadd.f32 $-1.500000000e+00, v20;
	_ =	sdelay $0x1  }
0xf4: {  	v44 =	vmul.f32 $3.705070350e-03, v20;
	_ =	sdelay $0x1  }
0xf5: {  	v22 =	vadd.f32 $-6.074877460e-03, v44;
	_ =	sdelay $0x1  }
0xf6: {  	v22 =	vmul.f32 v22, v20;
	_ =	sdelay $0x1  }
0xf7: {  	v22 =	vadd.f32 $8.157378990e-03, v22;
	_ =	sdelay $0x1  }
0xf8: {  	v22 =	vmul.f32 v22, v20;
	_ =	sdelay $0x1  }
0xf9: {  	v22 =	vadd.f32 $-1.437283490e-02, v22;
	_ =	sdelay $0x1  }
0xfa: {  	v22 =	vmul.f32 v22, v20;
	_ =	sdelay $0x1  }
0xfb: {  	v22 =	vadd.f32 $2.635899560e-02, v22  }
0xfc: {  	v1 =	vmul.f32 v6, v1;
	v2 =	vmul.f32 v5, v2  }
0xfd: {  	v22 =	vmul.f32 v22, v20  }
0xfe: {  	v3 =	vadd.f32 v12, v3;
	v1 =	vadd.f32 v2, v1  }
0xff: {  	v46 =	vadd.f32 $-4.940484840e-02, v22  }
0x100: {  	v1 =	vadd.f32 v1, v3  }
0x101: {  	v45 =	vshrl.u32 v9, $0x17;
	v47 =	vmul.f32 v17, v17;
	v48 =	vmul.f32 v46, v20  }
0x102: {  	v49 =	vmul.f32 v13, v7;
	v4 =	vadd.s32 v45, v4;
	v50 =	vmul.f32 v10, v8  }
0x103: {  	v4 =	vadd.s32 $0xFFFFFF81, v4;
	v57 =	vmul.f32 v18, v18;
	v6 =	vadd.f32 $9.876451640e-02, v48  }
0x104: {  	v2 =	vadd.f32 v50, v49;
	v51 =	vmul.f32 v23, v23;
	v52 =	vshrl.u32 v15, $0x17  }
0x105: {  	v54 =	vmul.f32 v14, v47;
	v53 =	vadd.s32 v52, v4;
	v55 =	vmul.f32 v6, v20  }
0x106: {  	v0 =	vmul.f32 v0, v51;
	v3 =	vadd.s32 $0xFFFFFF81, v53;
	v56 =	vshrl.u32 v16, $0x17  }
0x107: {  	v1 =	vadd.f32 v2, v1;
	v2 =	vadd.s32 v56, v3;
	v5 =	vadd.f32 $-2.222215680e-01, v55  }
0x108: {  	v0 =	vadd.f32 v0, v54;
	v2 =	vadd.s32 $0xFFFFFF81, v2;
	v58 =	vshrl.u32 v19, $0x17  }
0x109: {  	v3 =	vmul.f32 v11, v57;
	v2 =	vadd.s32 v58, v2;
	v59 =	vmul.f32 v5, v20  }
0x10a: {  	v0 =	vadd.f32 v0, v1;
	v60 =	vadd.s32 $0xFFFFFF81, v2  }
0x10b: {  	v61 =	vmul.f32 v21, v3;
	v1 =	vcvt.s32.f32 v60;
	v62 =	vadd.f32 $6.666666860e-01, v59;
	_ =	sdelay $0x1  }
0x10c: {  	v0 =	vadd.f32 v61, v0;
	v1 =	vmul.f32 $6.931471820e-01, v1;
	v63 =	vmul.f32 v62, v20;
	_ =	sdelay $0x1  }
0x10d: {  	v0 =	vadd.f32 v1, v0;
	v2 =	vadd.f32 $4.054650960e-01, v63;
	_ =	sdelay $0x1  }
0x10e: {  	v0 =	vadd.f32 v2, v0  }
0x10f: {  	s4 =	sshll.u32 s3, $0x4  }
0x110: {  	s30 =	simm.s32 $0x3C00;
	s31 =	simm.s32 $0x3;
	s4 =	sadd.s32 s4, s2;
	[tilespmem:$0x3C00] =	vst v0  }
0x111: {  	[spmem:s4] =	stream.linear.scatter [tilespmem:s30], [sflag:$0x3], $0x10, $0x38;
	[tilespmem:$0x3D90] =	vst v63  }
0x112: {  	_ =	swait.ge [sflag:s31], $0x10  }
0x113: {  	[sflag:s31] =	ssyncset.done $0x0  }
0x114: {  	[sflag:s31] =	ssyncadd.s32 $0xFFFFFFF0  }
0x115: {  	p0 =	sne.s32 s3, $0x0;
	[bflag:$0x0] =	sbarrier.arrive $0xFFFF  }
0x116: {  	_ =	sfence.sel @p0 $0x180000  }
0x117: {  	[bflag:$0x0] =	sbarrier.arrive @p0 $0xFFFF  }
0x118: {  	_ =	strace @p0 $0x90000047  }
0x119: {  	s3 =	simm.s32 @!p0 $0x3C80;
	[bflag:$0x2] =	sbarrier.arrive @p0 $0xFFFF  }
0x11a: {  	[tilespmem:s3], [sflag:$0x3] =	stream.linear.gather @!p0 [spmem:s2], $0x100, $0x38;
	[tilespmem:$0x3D90] =	vst v63  }
0x11b: {  	s2 =	simm.s32 @!p0 $0x3  }
0x11c: {  	_ =	swait.ge @!p0 [sflag:s2], $0x100  }
0x11d: {  	[sflag:s2] =	ssyncset.done @!p0 $0x0  }
0x11e: {  	[sflag:s2] =	ssyncadd.s32 @!p0 $0xFFFFFF00  }
0x11f: {  	v0 =	vld @!p0 [tilespmem:$0x3C80];
	_ =	sdelay $0x1  }
0x120: {  	v1 =	vld @!p0 [tilespmem:$0x3C90];
	_ =	sdelay $0x1  }
0x121: {  	v2 =	vld @!p0 [tilespmem:$0x3CA0]  }
0x122: {  	v0 =	vadd.f32 @!p0 $0.0e+00, v0  }
0x123: {  	v3 =	vld @!p0 [tilespmem:$0x3CB0]  }
0x124: {  	v0 =	vadd.f32 @!p0 v1, v0  }
0x125: {  	v1 =	vld @!p0 [tilespmem:$0x3CC0]  }
0x126: {  	v0 =	vadd.f32 @!p0 v2, v0  }
0x127: {  	v2 =	vld @!p0 [tilespmem:$0x3CD0]  }
0x128: {  	v0 =	vadd.f32 @!p0 v3, v0  }
0x129: {  	v3 =	vld @!p0 [tilespmem:$0x3CE0]  }
0x12a: {  	v0 =	vadd.f32 @!p0 v1, v0  }
0x12b: {  	v1 =	vld @!p0 [tilespmem:$0x3CF0]  }
0x12c: {  	v0 =	vadd.f32 @!p0 v2, v0  }
0x12d: {  	v2 =	vld @!p0 [tilespmem:$0x3D00]  }
0x12e: {  	v0 =	vadd.f32 @!p0 v3, v0  }
0x12f: {  	v3 =	vld @!p0 [tilespmem:$0x3D10]  }
0x130: {  	v0 =	vadd.f32 @!p0 v1, v0  }
0x131: {  	v1 =	vld @!p0 [tilespmem:$0x3D20]  }
0x132: {  	v0 =	vadd.f32 @!p0 v2, v0  }
0x133: {  	v2 =	vld @!p0 [tilespmem:$0x3D30]  }
0x134: {  	v0 =	vadd.f32 @!p0 v3, v0  }
0x135: {  	v3 =	vld @!p0 [tilespmem:$0x3D40]  }
0x136: {  	v0 =	vadd.f32 @!p0 v1, v0  }
0x137: {  	v1 =	vld @!p0 [tilespmem:$0x3D50]  }
0x138: {  	v0 =	vadd.f32 @!p0 v2, v0  }
0x139: {  	v2 =	vld @!p0 [tilespmem:$0x3D60]  }
0x13a: {  	v0 =	vadd.f32 @!p0 v3, v0  }
0x13b: {  	v3 =	vld @!p0 [tilespmem:$0x3D70]  }
0x13c: {  	v0 =	vadd.f32 @!p0 v1, v0;
	_ =	sdelay $0x1  }
0x13d: {  	v0 =	vadd.f32 @!p0 v2, v0;
	_ =	sdelay $0x1  }
0x13e: {  	v0 =	vadd.f32 @!p0 v3, v0;
	_ =	sdelay $0x1  }
0x13f: {  	(xrf2) =	vadd.scan.msk.f32 @!p0 $0xffff, v0;
	_ =	sdelay $0x9  }
0x140: {  	v0, _, _ =	vpop @!p0 (xrf2)  }
0x141: {  	(v2sf) =	vpush @!p0 v0, $0xF;
	_ =	sdelay $0xe  }
0x142: {  	s3 =	spop @!p0 (v2sf)  }
0x143: {  	s3 =	smul.f32 @!p0 $2.499999940e-05, s3;
	_ =	sdelay $0x1  }
0x144: {  	v0 =	vmov @!p0 s3  }
0x145: {  	v0 =	vadd.f32 @!p0 $0.0e+00, v0;
	_ =	sdelay $0x1  }
0x146: {  	v0 =	vbroadcast @!p0 v0, $0x0;
	_ =	sdelay $0x1  }
0x147: {  	s4 =	simm.s32 @!p0 $0x3C00;
	s3 =	simm.s32 @!p0 $0x0;
	[tilespmem:$0x3C00] =	vst @!p0 v0  }
0x148: {  	[hbm4b:s1+s3] =	stream.linear.scatter @!p0 [tilespmem:s4], [sflag:$0x3], $0x80, $0x38;
	[tilespmem:$0x3D90] =	vst v63  }
0x149: {  	_ =	swait.ge @!p0 [sflag:s2], $0x80  }
0x14a: {  	[sflag:s2] =	ssyncset.done @!p0 $0x0  }
0x14b: {  	[sflag:s2] =	ssyncadd.s32 @!p0 $0xFFFFFF80  }
0x14c: {  	_ =	sfence.sel @!p0 $0x180000  }
0x14d: {  	[bflag:$0x0] =	sbarrier.arrive @!p0 $0xFFFF  }
0x14e: {  	_ =	strace @!p0 $0x90000047  }
0x14f: {  	s0 =	sadd.s32 @!p0 $0x100000, s0;
	[bflag:$0x2] =	sbarrier.arrive @!p0 $0xFFFF  }
0x150: {  	[sflag:s0] =	ssyncadd.tile.s32 @!p0 $0x1;
	_ =	shalt  }
.Lfunc_end2:
_tile_overlayer_lowered:
.L_overlay_start_2:
0x151: {  	(tag) =	ssettag $0x2  }
0x152: {  	s0 =	rddreg [dreg:$0x0];
	s2 =	stileid.u32  }
0x153: {  	s1 =	rddreg [dreg:$0x1];
	p0 =	sne.s32 s2, $0x0  }
0x154: {  	s3 =	rddreg [dreg:$0x2];
	[bflag:$0x3] =	sbarrier.arrive $0xFFFF;
	s2 =	simm.s32 @!p0 $0x1C03  }
0x155: {  	[timem:s3], [sflag:s2] =	dma.local @!p0 [hbm:s0], s1  }
0x156: {  	s0 =	simm.s32 @!p0 $0x3  }
0x157: {  	_ =	swait.ge @!p0 [sflag:s0], s1  }
0x158: {  	s1 =	ssub.s32 @!p0 $0x0, s1;
	[sflag:s0] =	ssyncset.done @!p0 $0x0  }
0x159: {  	[sflag:s0] =	ssyncadd.s32 @!p0 s1  }
0x15a: {  	[bflag:$0x3] =	sbarrier.arrive $0xFFFF  }
0x15b: {  	_ =	shalt  }

</sc_bundles>
